<compile_context>
chip_gen: v7x
topology: tpu7x:2x2x1
jax: 0.10.2.dev20260603
libtpu: 0.0.44.dev20260713+nightly
codegen_flags: <defaults>
</compile_context>

<pallas_src>
import functools

import jax
import jax.numpy as jnp
from jax import lax
from jax.experimental import pallas as pl
from jax.experimental.pallas import tpu as pltpu
from jax.experimental.pallas import tpu_sc as plsc

N = 10000
E = 320000
D_IN = 128
D_H = 128
D_OUT = 64

NC = 2
NS = 16
NW = NC * NS
EPW = E // NW
K = 80
NPAD = 10112
RPT = NPAD // NS
ZR = RPT // 8

_mesh = lambda: plsc.VectorSubcoreMesh(core_axis_name="c", subcore_axis_name="s")


@functools.partial(
    pl.kernel,
    out_type=jax.ShapeDtypeStruct((NC, NS, NPAD), jnp.float32),
    mesh=_mesh(),
    compiler_params=pltpu.CompilerParams(needs_layout_passes=False),
    scratch_types=[
        pltpu.VMEM((EPW,), jnp.int32),
        pltpu.VMEM((NPAD,), jnp.float32),
    ],
)
def _sc_deg(dst_hbm, out_hbm, idx_v, cnt_v):
    c = lax.axis_index("c")
    s = lax.axis_index("s")
    base = (c * NS + s) * EPW
    pltpu.sync_copy(dst_hbm.at[pl.ds(base, EPW)], idx_v)

    def zero(i, carry):
        cnt_v[pl.ds(i * 16, 16)] = jnp.zeros((16,), jnp.float32)
        return carry

    lax.fori_loop(0, NPAD // 16, zero, 0)

    ones16 = jnp.ones((16,), jnp.float32)

    def hist(i, carry):
        idx = idx_v[pl.ds(i * 16, 16)]
        plsc.addupdate_scatter(cnt_v, [idx], ones16)
        return carry

    lax.fori_loop(0, EPW // 16, hist, 0)
    pltpu.sync_copy(cnt_v, out_hbm.at[c, s])


def _make_segsum(D):
    @functools.partial(
        pl.kernel,
        out_type=jax.ShapeDtypeStruct((NC, NPAD, D), jnp.float32),
        mesh=_mesh(),
        compiler_params=pltpu.CompilerParams(needs_layout_passes=False),
        scratch_types=[
            pltpu.VMEM((K,), jnp.int32),
            pltpu.VMEM((K,), jnp.int32),
            pltpu.VMEM((K, D), jnp.float32),
            pltpu.VMEM((ZR, D), jnp.float32),
            pltpu.VMEM_SHARED((NPAD, D), jnp.float32),
            pltpu.SemaphoreType.DMA,
        ],
    )
    def seg(src_hbm, dst_hbm, h_hbm, out_hbm, src_v, dst_v, rows_v, zero_v, acc_sh, sem):
        c = lax.axis_index("c")
        s = lax.axis_index("s")
        base = (c * NS + s) * EPW

        def zero(i, carry):
            r = i // (D // 16)
            l = i % (D // 16)
            zero_v[r, pl.ds(l * 16, 16)] = jnp.zeros((16,), jnp.float32)
            return carry

        lax.fori_loop(0, ZR * (D // 16), zero, 0)
        for t in range(RPT // ZR):
            pltpu.sync_copy(zero_v, acc_sh.at[pl.ds((s * (RPT // ZR) + t) * ZR, ZR)])
        plsc.subcore_barrier()

        def body(j, carry):
            off = base + j * K
            pltpu.sync_copy(src_hbm.at[pl.ds(off, K)], src_v)
            pltpu.sync_copy(dst_hbm.at[pl.ds(off, K)], dst_v)
            pltpu.async_copy(h_hbm.at[src_v], rows_v, sem).wait()
            pltpu.sync_copy(rows_v, acc_sh.at[dst_v], add=True)
            return carry

        lax.fori_loop(0, EPW // K, body, 0)
        plsc.subcore_barrier()
        pltpu.sync_copy(acc_sh.at[pl.ds(s * RPT, RPT)], out_hbm.at[c, pl.ds(s * RPT, RPT)])

    return seg


_sc_seg128 = _make_segsum(D_H)


def _tc_dis_body(parts_ref, o_ref):
    deg = jnp.sum(parts_ref[...], axis=0) + 1.0
    o_ref[...] = lax.rsqrt(deg)


def _tc_dis(parts):
    return pl.pallas_call(
        _tc_dis_body,
        out_shape=jax.ShapeDtypeStruct((NPAD,), jnp.float32),
    )(parts)


_R = 2000


def _tc_h1p_body(x_ref, w_ref, dis_ref, o_ref):
    h = jnp.dot(x_ref[...], w_ref[...], preferred_element_type=jnp.float32)
    o_ref[...] = h * dis_ref[...]


def _tc_h1p(x, W1, dis_col):
    return pl.pallas_call(
        _tc_h1p_body,
        grid=(N // _R,),
        in_specs=[
            pl.BlockSpec((_R, D_IN), lambda i: (i, 0)),
            pl.BlockSpec((D_IN, D_H), lambda i: (0, 0)),
            pl.BlockSpec((_R, 1), lambda i: (i, 0)),
        ],
        out_specs=pl.BlockSpec((_R, D_H), lambda i: (i, 0)),
        out_shape=jax.ShapeDtypeStruct((N, D_H), jnp.float32),
    )(x, W1, dis_col)


def _tc_u_body(agg_ref, hp_ref, dis_ref, b_ref, o_ref):
    d = dis_ref[...]
    z = d * (agg_ref[0] + agg_ref[1] + hp_ref[...]) + b_ref[...]
    o_ref[...] = jnp.maximum(z, 0.0) * d


def _tc_u(agg1, h1p, dis_col, b1_row):
    return pl.pallas_call(
        _tc_u_body,
        grid=(N // _R,),
        in_specs=[
            pl.BlockSpec((NC, _R, D_H), lambda i: (0, i, 0)),
            pl.BlockSpec((_R, D_H), lambda i: (i, 0)),
            pl.BlockSpec((_R, 1), lambda i: (i, 0)),
            pl.BlockSpec((1, D_H), lambda i: (0, 0)),
        ],
        out_specs=pl.BlockSpec((_R, D_H), lambda i: (i, 0)),
        out_shape=jax.ShapeDtypeStruct((N, D_H), jnp.float32),
    )(agg1, h1p, dis_col, b1_row)


def _tc_out_body(agg_ref, u_ref, dis_ref, w_ref, b_ref, o_ref):
    v = dis_ref[...] * (agg_ref[0] + agg_ref[1] + u_ref[...])
    z = jnp.dot(v, w_ref[...], preferred_element_type=jnp.float32) + b_ref[...]
    m = jnp.max(z, axis=1, keepdims=True)
    zm = z - m
    lse = jnp.log(jnp.sum(jnp.exp(zm), axis=1, keepdims=True))
    o_ref[...] = zm - lse


def _tc_out(agg2, u, dis_col, W2, b2_row):
    return pl.pallas_call(
        _tc_out_body,
        grid=(N // _R,),
        in_specs=[
            pl.BlockSpec((NC, _R, D_H), lambda i: (0, i, 0)),
            pl.BlockSpec((_R, D_H), lambda i: (i, 0)),
            pl.BlockSpec((_R, 1), lambda i: (i, 0)),
            pl.BlockSpec((D_H, D_OUT), lambda i: (0, 0)),
            pl.BlockSpec((1, D_OUT), lambda i: (0, 0)),
        ],
        out_specs=pl.BlockSpec((_R, D_OUT), lambda i: (i, 0)),
        out_shape=jax.ShapeDtypeStruct((N, D_OUT), jnp.float32),
    )(agg2, u, dis_col, W2, b2_row)


@jax.jit
def kernel(x, edge_index, W1, b1, W2, b2):
    src = edge_index[0]
    dst = edge_index[1]
    parts = _sc_deg(dst)
    dis = _tc_dis(parts.reshape(NW, NPAD))
    dis_col = dis.reshape(NPAD, 1)
    h1p = _tc_h1p(x, W1, dis_col)
    agg1 = _sc_seg128(src, dst, h1p)
    u = _tc_u(agg1, h1p, dis_col, b1.reshape(1, D_H))
    agg2 = _sc_seg128(src, dst, u)
    return _tc_out(agg2, u, dis_col, W2, b2.reshape(1, D_OUT))

# --- scband reference (transcript-rebuilt; emitter-appended) ---
"""Pipeline reference for scband-gcn-21019569947172 (READ-ONLY COPY).

The authoritative reference and input builder live on the scoring server;
editing this copy changes nothing except your own understanding.
"""

import jax, jax.numpy as jnp
import numpy as np

N = 10000
E = 320000
D_IN = 128
D_H = 128
D_OUT = 64


def gcn_conv(x, edge_index, W, b):
    n = x.shape[0]
    src = edge_index[0]
    dst = edge_index[1]
    # add self-loops (PyG GCNConv default add_self_loops=True)
    loop = jnp.arange(n, dtype=src.dtype)
    src = jnp.concatenate([src, loop])
    dst = jnp.concatenate([dst, loop])
    # symmetric degree normalization D^{-1/2} (A+I) D^{-1/2}
    deg = jax.ops.segment_sum(jnp.ones_like(dst, dtype=x.dtype), dst, num_segments=n)
    deg_inv_sqrt = jnp.where(deg > 0, deg ** -0.5, 0.0)
    norm = deg_inv_sqrt[src] * deg_inv_sqrt[dst]
    # linear transform first, then propagate (matches PyG GCNConv)
    h = x @ W
    msg = h[src] * norm[:, None]
    out = jax.ops.segment_sum(msg, dst, num_segments=n)
    return out + b


def setup_inputs(seed: int = 0):
    key = jax.random.key(seed)
    ks = jax.random.split(key, 6)
    x = jax.random.normal(ks[0], (N, D_IN), dtype=jnp.float32)
    edge_index = jax.random.randint(ks[1], (2, E), 0, N, dtype=jnp.int32)
    W1 = jax.random.normal(ks[2], (D_IN, D_H), dtype=jnp.float32) * (1.0 / np.sqrt(D_IN))
    b1 = jnp.zeros((D_H,), dtype=jnp.float32)
    W2 = jax.random.normal(ks[3], (D_H, D_OUT), dtype=jnp.float32) * (1.0 / np.sqrt(D_H))
    b2 = jnp.zeros((D_OUT,), dtype=jnp.float32)
    return {"x": x, "edge_index": edge_index, "W1": W1, "b1": b1, "W2": W2, "b2": b2}


def reference(x, edge_index, W1, b1, W2, b2):
    h = gcn_conv(x, edge_index, W1, b1)
    h = jax.nn.relu(h)
    h = gcn_conv(h, edge_index, W2, b2)
    return jax.nn.log_softmax(h, axis=1)

if __name__ == "__main__":
    import jax
    _d = setup_inputs()
    print(jax.jit(kernel)(*tuple(_d.values())))

</pallas_src>

<mosaic_0001>
#map = affine_map<(d0, d1) -> (0)>
#map1 = affine_map<(d0, d1) -> (0, 0, 0)>
module attributes {stable_mosaic.version = 14 : i64} {
  func.func @_sc_deg(%arg0: i32, %arg1: i32, %arg2: memref<320000xi32, #tpu.memory_space<hbm>>, %arg3: memref<2x16x10112xf32, #tpu.memory_space<hbm>>, %arg4: memref<10000xi32, #tpu.memory_space<vmem>>, %arg5: memref<10112xf32, #tpu.memory_space<vmem>>) attributes {dimension_semantics = [#tpu.dimension_semantics<core_parallel>, #tpu.dimension_semantics<subcore_parallel>], iteration_bounds = array<i64: 2, 16>, scalar_prefetch = 0 : i64, scratch_operands = 2 : i64, tpu.core_type = #tpu.core_type<sc_vector_subcore>, window_params = [{transform_indices = #map}, {transform_indices = #map1}]} {
    %mul3A = arith.constant 16 : i32
    %mul3A_0 = arith.muli %arg0, %mul3A : i32
    %add3A = arith.addi %mul3A_0, %arg1 : i32
    %mul3A_1 = arith.constant 10000 : i32
    %mul3A_2 = arith.muli %add3A, %mul3A_1 : i32
    "tpu.region"() ({
      %run_scoped3A = tpu.sem_alloc : memref<!tpu.dma_semaphore, #tpu.memory_space<semaphore_mem>>
      %dma_start3A = tpu.memref_slice %arg2[%mul3A_2] : memref<320000xi32, #tpu.memory_space<hbm>> -> memref<10000xi32, #tpu.memory_space<hbm>>
      %dma_start3A_15 = tpu.memref_slice %arg2[%mul3A_2] : memref<320000xi32, #tpu.memory_space<hbm>> -> memref<10000xi32, #tpu.memory_space<hbm>>
      tpu.enqueue_dma source(%dma_start3A_15 : memref<10000xi32, #tpu.memory_space<hbm>>) target(%arg4 : memref<10000xi32, #tpu.memory_space<vmem>>) target_semaphore(%run_scoped3A : memref<!tpu.dma_semaphore, #tpu.memory_space<semaphore_mem>>)
      %dma_wait3A = tpu.memref_slice %arg2[%mul3A_2] : memref<320000xi32, #tpu.memory_space<hbm>> -> memref<10000xi32, #tpu.memory_space<hbm>>
      %dma_wait3A_16 = tpu.memref_slice %arg2[%mul3A_2] : memref<320000xi32, #tpu.memory_space<hbm>> -> memref<10000xi32, #tpu.memory_space<hbm>>
      tpu.wait_dma2 semaphore(%run_scoped3A : memref<!tpu.dma_semaphore, #tpu.memory_space<semaphore_mem>>) src(%dma_wait3A_16 : memref<10000xi32, #tpu.memory_space<hbm>>) dst(%arg4 : memref<10000xi32, #tpu.memory_space<vmem>>)
      tpu.yield
    }) : () -> ()
    %scan3A = arith.constant 0 : i32
    %scan3A_3 = arith.constant 0 : i32
    %scan3A_4 = arith.constant 632 : i32
    %scan3A_5 = arith.addi %scan3A_3, %scan3A_4 : i32
    %scan3A_6 = arith.constant 1 : i32
    scf.for %scan3A_15 = %scan3A_3 to %scan3A_5 step %scan3A_6  : i32 {
      %broadcast_in_dim3A_16 = arith.constant 0.000000e+00 : f32
      %broadcast_in_dim3A_17 = vector.broadcast %broadcast_in_dim3A_16 : f32 to vector<16xf32>
      %mul3A_18 = arith.constant 16 : i32
      %mul3A_19 = arith.muli %scan3A_15, %mul3A_18 : i32
      %swap3A = arith.index_cast %mul3A_19 : i32 to index
      %swap3A_20 = tpu.vector_load %arg5[%swap3A] {strides = array<i32>} : memref<10112xf32, #tpu.memory_space<vmem>>, vector<16xf32>,
      tpu.vector_store %arg5[%swap3A], %broadcast_in_dim3A_17 {strides = array<i32>} : memref<10112xf32, #tpu.memory_space<vmem>>, vector<16xf32>,
    }
    %scan3A_7 = arith.constant 632 : i32
    %broadcast_in_dim3A = arith.constant 1.000000e+00 : f32
    %broadcast_in_dim3A_8 = vector.broadcast %broadcast_in_dim3A : f32 to vector<16xf32>
    %scan3A_9 = arith.constant 0 : i32
    %scan3A_10 = arith.constant 0 : i32
    %scan3A_11 = arith.constant 625 : i32
    %scan3A_12 = arith.addi %scan3A_10, %scan3A_11 : i32
    %scan3A_13 = arith.constant 1 : i32
    scf.for %scan3A_15 = %scan3A_10 to %scan3A_12 step %scan3A_13  : i32 {
      %mul3A_16 = arith.constant 16 : i32
      %mul3A_17 = arith.muli %scan3A_15, %mul3A_16 : i32
      %get3A = arith.index_cast %mul3A_17 : i32 to index
      %get3A_18 = tpu.vector_load %arg4[%get3A] {strides = array<i32>} : memref<10000xi32, #tpu.memory_space<vmem>>, vector<16xi32>,
      tpu.vector_store_idx %arg5[%get3A_18], %broadcast_in_dim3A_8 {add = true} : memref<10112xf32, #tpu.memory_space<vmem>>[vector<16xi32>], vector<16xf32>,
    }
    %scan3A_14 = arith.constant 625 : i32
    "tpu.region"() ({
      %run_scoped3A = tpu.sem_alloc : memref<!tpu.dma_semaphore, #tpu.memory_space<semaphore_mem>>
      %dma_start3A = arith.constant 0 : i32
      %dma_start3A_15 = tpu.memref_slice %arg3[%arg0, %arg1, %dma_start3A] : memref<2x16x10112xf32, #tpu.memory_space<hbm>> -> memref<1x1x10112xf32, #tpu.memory_space<hbm>>
      %dma_start3A_16 = tpu.memref_squeeze %dma_start3A_15 : memref<1x1x10112xf32, #tpu.memory_space<hbm>> -> memref<10112xf32, #tpu.memory_space<hbm>>
      %dma_start3A_17 = arith.constant 0 : i32
      %dma_start3A_18 = tpu.memref_slice %arg3[%arg0, %arg1, %dma_start3A_17] : memref<2x16x10112xf32, #tpu.memory_space<hbm>> -> memref<1x1x10112xf32, #tpu.memory_space<hbm>>
      %dma_start3A_19 = tpu.memref_squeeze %dma_start3A_18 : memref<1x1x10112xf32, #tpu.memory_space<hbm>> -> memref<10112xf32, #tpu.memory_space<hbm>>
      tpu.enqueue_dma source(%arg5 : memref<10112xf32, #tpu.memory_space<vmem>>) target(%dma_start3A_19 : memref<10112xf32, #tpu.memory_space<hbm>>) target_semaphore(%run_scoped3A : memref<!tpu.dma_semaphore, #tpu.memory_space<semaphore_mem>>)
      %dma_wait3A = arith.constant 0 : i32
      %dma_wait3A_20 = tpu.memref_slice %arg3[%arg0, %arg1, %dma_wait3A] : memref<2x16x10112xf32, #tpu.memory_space<hbm>> -> memref<1x1x10112xf32, #tpu.memory_space<hbm>>
      %dma_wait3A_21 = tpu.memref_squeeze %dma_wait3A_20 : memref<1x1x10112xf32, #tpu.memory_space<hbm>> -> memref<10112xf32, #tpu.memory_space<hbm>>
      %dma_wait3A_22 = arith.constant 0 : i32
      %dma_wait3A_23 = tpu.memref_slice %arg3[%arg0, %arg1, %dma_wait3A_22] : memref<2x16x10112xf32, #tpu.memory_space<hbm>> -> memref<1x1x10112xf32, #tpu.memory_space<hbm>>
      %dma_wait3A_24 = tpu.memref_squeeze %dma_wait3A_23 : memref<1x1x10112xf32, #tpu.memory_space<hbm>> -> memref<10112xf32, #tpu.memory_space<hbm>>
      tpu.wait_dma2 semaphore(%run_scoped3A : memref<!tpu.dma_semaphore, #tpu.memory_space<semaphore_mem>>) src(%arg5 : memref<10112xf32, #tpu.memory_space<vmem>>) dst(%dma_wait3A_24 : memref<10112xf32, #tpu.memory_space<hbm>>)
      tpu.yield
    }) : () -> ()
    return
  }
}

#map = affine_map<(d0, d1) -> (0)>
#map1 = affine_map<(d0, d1) -> (0, 0)>
#map2 = affine_map<(d0, d1) -> (0, 0, 0)>
module attributes {stable_mosaic.version = 14 : i64} {
  func.func @seg(%arg0: i32, %arg1: i32, %arg2: memref<320000xi32, #tpu.memory_space<hbm>>, %arg3: memref<320000xi32, #tpu.memory_space<hbm>>, %arg4: memref<10000x128xf32, #tpu.memory_space<hbm>>, %arg5: memref<2x10112x128xf32, #tpu.memory_space<hbm>>, %arg6: memref<80xi32, #tpu.memory_space<vmem>>, %arg7: memref<80xi32, #tpu.memory_space<vmem>>, %arg8: memref<80x128xf32, #tpu.memory_space<vmem>>, %arg9: memref<79x128xf32, #tpu.memory_space<vmem>>, %arg10: memref<10112x128xf32, #tpu.memory_space<vmem_shared>>, %arg11: memref<!tpu.dma_semaphore, #tpu.memory_space<semaphore_mem>>) attributes {dimension_semantics = [#tpu.dimension_semantics<core_parallel>, #tpu.dimension_semantics<subcore_parallel>], iteration_bounds = array<i64: 2, 16>, scalar_prefetch = 0 : i64, scratch_operands = 6 : i64, tpu.core_type = #tpu.core_type<sc_vector_subcore>, window_params = [{transform_indices = #map}, {transform_indices = #map}, {transform_indices = #map1}, {transform_indices = #map2}]} {
    %mul3A = arith.constant 16 : i32
    %mul3A_0 = arith.muli %arg0, %mul3A : i32
    %add3A = arith.addi %mul3A_0, %arg1 : i32
    %mul3A_1 = arith.constant 10000 : i32
    %mul3A_2 = arith.muli %add3A, %mul3A_1 : i32
    %scan3A = arith.constant 0 : i32
    %scan3A_3 = arith.constant 0 : i32
    %scan3A_4 = arith.constant 632 : i32
    %scan3A_5 = arith.addi %scan3A_3, %scan3A_4 : i32
    %scan3A_6 = arith.constant 1 : i32
    scf.for %scan3A_67 = %scan3A_3 to %scan3A_5 step %scan3A_6  : i32 {
      %jit3A = arith.constant 8 : i32
      %div3A = arith.divsi %scan3A_67, %jit3A : i32
      %sign3A = arith.constant 0 : i32
      %sign3A_68 = arith.cmpi sgt, %scan3A_67, %sign3A : i32
      %sign3A_69 = arith.extui %sign3A_68 : i1 to i32
      %sign3A_70 = arith.constant 0 : i32
      %sign3A_71 = arith.cmpi slt, %scan3A_67, %sign3A_70 : i32
      %sign3A_72 = arith.extui %sign3A_71 : i1 to i32
      %sign3A_73 = arith.subi %sign3A_69, %sign3A_72 : i32
      %sign3A_74 = arith.constant 0 : i32
      %sign3A_75 = arith.cmpi sgt, %jit3A, %sign3A_74 : i32
      %sign3A_76 = arith.extui %sign3A_75 : i1 to i32
      %sign3A_77 = arith.constant 0 : i32
      %sign3A_78 = arith.cmpi slt, %jit3A, %sign3A_77 : i32
      %sign3A_79 = arith.extui %sign3A_78 : i1 to i32
      %sign3A_80 = arith.subi %sign3A_76, %sign3A_79 : i32
      %ne3A = arith.cmpi ne, %sign3A_73, %sign3A_80 : i32
      %rem3A = arith.remsi %scan3A_67, %jit3A : i32
      %ne3A_81 = arith.constant 0 : i32
      %ne3A_82 = arith.cmpi ne, %rem3A, %ne3A_81 : i32
      %and3A = arith.andi %ne3A, %ne3A_82 : i1
      %sub3A = arith.constant 1 : i32
      %sub3A_83 = arith.subi %div3A, %sub3A : i32
      %select_n3A = arith.select %and3A, %sub3A_83, %div3A : i32
      %jit3A_84 = arith.constant 8 : i32
      %eq3A = arith.constant 0 : i32
      %eq3A_85 = arith.cmpi eq, %jit3A_84, %eq3A : i32
      %jit3A_86 = arith.constant 1 : i32
      %select_n3A_87 = arith.select %eq3A_85, %jit3A_86, %jit3A_84 : i32
      %rem3A_88 = arith.remsi %scan3A_67, %select_n3A_87 : i32
      %ne3A_89 = arith.constant 0 : i32
      %ne3A_90 = arith.cmpi ne, %rem3A_88, %ne3A_89 : i32
      %lt3A = arith.constant 0 : i32
      %lt3A_91 = arith.cmpi slt, %rem3A_88, %lt3A : i32
      %lt3A_92 = arith.constant 0 : i32
      %lt3A_93 = arith.cmpi slt, %select_n3A_87, %lt3A_92 : i32
      %ne3A_94 = arith.xori %lt3A_91, %lt3A_93 : i1
      %and3A_95 = arith.andi %ne3A_94, %ne3A_90 : i1
      %add3A_96 = arith.addi %rem3A_88, %select_n3A_87 : i32
      %select_n3A_97 = arith.select %and3A_95, %add3A_96, %rem3A_88 : i32
      %broadcast_in_dim3A = arith.constant 0.000000e+00 : f32
      %broadcast_in_dim3A_98 = vector.broadcast %broadcast_in_dim3A : f32 to vector<16xf32>
      %mul3A_99 = arith.constant 16 : i32
      %mul3A_100 = arith.muli %select_n3A_97, %mul3A_99 : i32
      %swap3A = arith.index_cast %select_n3A : i32 to index
      %swap3A_101 = arith.index_cast %mul3A_100 : i32 to index
      %swap3A_102 = tpu.vector_load %arg9[%swap3A, %swap3A_101] {strides = array<i32>} : memref<79x128xf32, #tpu.memory_space<vmem>>, vector<16xf32>,
      tpu.vector_store %arg9[%swap3A, %swap3A_101], %broadcast_in_dim3A_98 {strides = array<i32>} : memref<79x128xf32, #tpu.memory_space<vmem>>, vector<16xf32>,
    }
    %scan3A_7 = arith.constant 632 : i32
    %mul3A_8 = arith.constant 8 : i32
    %mul3A_9 = arith.muli %arg1, %mul3A_8 : i32
    %add3A_10 = arith.constant 0 : i32
    %add3A_11 = arith.addi %mul3A_9, %add3A_10 : i32
    %mul3A_12 = arith.constant 79 : i32
    %mul3A_13 = arith.muli %add3A_11, %mul3A_12 : i32
    "tpu.region"() ({
      %run_scoped3A = tpu.sem_alloc : memref<!tpu.dma_semaphore, #tpu.memory_space<semaphore_mem>>
      %dma_start3A = arith.constant 0 : i32
      %dma_start3A_67 = tpu.memref_slice %arg10[%mul3A_13, %dma_start3A] : memref<10112x128xf32, #tpu.memory_space<vmem_shared>> -> memref<79x128xf32, #tpu.memory_space<vmem_shared>>
      %dma_start3A_68 = arith.constant 0 : i32
      %dma_start3A_69 = tpu.memref_slice %arg10[%mul3A_13, %dma_start3A_68] : memref<10112x128xf32, #tpu.memory_space<vmem_shared>> -> memref<79x128xf32, #tpu.memory_space<vmem_shared>>
      tpu.enqueue_dma source(%arg9 : memref<79x128xf32, #tpu.memory_space<vmem>>) target(%dma_start3A_69 : memref<79x128xf32, #tpu.memory_space<vmem_shared>>) target_semaphore(%run_scoped3A : memref<!tpu.dma_semaphore, #tpu.memory_space<semaphore_mem>>)
      %dma_wait3A = arith.constant 0 : i32
      %dma_wait3A_70 = tpu.memref_slice %arg10[%mul3A_13, %dma_wait3A] : memref<10112x128xf32, #tpu.memory_space<vmem_shared>> -> memref<79x128xf32, #tpu.memory_space<vmem_shared>>
      %dma_wait3A_71 = arith.constant 0 : i32
      %dma_wait3A_72 = tpu.memref_slice %arg10[%mul3A_13, %dma_wait3A_71] : memref<10112x128xf32, #tpu.memory_space<vmem_shared>> -> memref<79x128xf32, #tpu.memory_space<vmem_shared>>
      tpu.wait_dma2 semaphore(%run_scoped3A : memref<!tpu.dma_semaphore, #tpu.memory_space<semaphore_mem>>) src(%arg9 : memref<79x128xf32, #tpu.memory_space<vmem>>) dst(%dma_wait3A_72 : memref<79x128xf32, #tpu.memory_space<vmem_shared>>)
      tpu.yield
    }) : () -> ()
    %mul3A_14 = arith.constant 8 : i32
    %mul3A_15 = arith.muli %arg1, %mul3A_14 : i32
    %add3A_16 = arith.constant 1 : i32
    %add3A_17 = arith.addi %mul3A_15, %add3A_16 : i32
    %mul3A_18 = arith.constant 79 : i32
    %mul3A_19 = arith.muli %add3A_17, %mul3A_18 : i32
    "tpu.region"() ({
      %run_scoped3A = tpu.sem_alloc : memref<!tpu.dma_semaphore, #tpu.memory_space<semaphore_mem>>
      %dma_start3A = arith.constant 0 : i32
      %dma_start3A_67 = tpu.memref_slice %arg10[%mul3A_19, %dma_start3A] : memref<10112x128xf32, #tpu.memory_space<vmem_shared>> -> memref<79x128xf32, #tpu.memory_space<vmem_shared>>
      %dma_start3A_68 = arith.constant 0 : i32
      %dma_start3A_69 = tpu.memref_slice %arg10[%mul3A_19, %dma_start3A_68] : memref<10112x128xf32, #tpu.memory_space<vmem_shared>> -> memref<79x128xf32, #tpu.memory_space<vmem_shared>>
      tpu.enqueue_dma source(%arg9 : memref<79x128xf32, #tpu.memory_space<vmem>>) target(%dma_start3A_69 : memref<79x128xf32, #tpu.memory_space<vmem_shared>>) target_semaphore(%run_scoped3A : memref<!tpu.dma_semaphore, #tpu.memory_space<semaphore_mem>>)
      %dma_wait3A = arith.constant 0 : i32
      %dma_wait3A_70 = tpu.memref_slice %arg10[%mul3A_19, %dma_wait3A] : memref<10112x128xf32, #tpu.memory_space<vmem_shared>> -> memref<79x128xf32, #tpu.memory_space<vmem_shared>>
      %dma_wait3A_71 = arith.constant 0 : i32
      %dma_wait3A_72 = tpu.memref_slice %arg10[%mul3A_19, %dma_wait3A_71] : memref<10112x128xf32, #tpu.memory_space<vmem_shared>> -> memref<79x128xf32, #tpu.memory_space<vmem_shared>>
      tpu.wait_dma2 semaphore(%run_scoped3A : memref<!tpu.dma_semaphore, #tpu.memory_space<semaphore_mem>>) src(%arg9 : memref<79x128xf32, #tpu.memory_space<vmem>>) dst(%dma_wait3A_72 : memref<79x128xf32, #tpu.memory_space<vmem_shared>>)
      tpu.yield
    }) : () -> ()
    %mul3A_20 = arith.constant 8 : i32
    %mul3A_21 = arith.muli %arg1, %mul3A_20 : i32
    %add3A_22 = arith.constant 2 : i32
    %add3A_23 = arith.addi %mul3A_21, %add3A_22 : i32
    %mul3A_24 = arith.constant 79 : i32
    %mul3A_25 = arith.muli %add3A_23, %mul3A_24 : i32
    "tpu.region"() ({
      %run_scoped3A = tpu.sem_alloc : memref<!tpu.dma_semaphore, #tpu.memory_space<semaphore_mem>>
      %dma_start3A = arith.constant 0 : i32
      %dma_start3A_67 = tpu.memref_slice %arg10[%mul3A_25, %dma_start3A] : memref<10112x128xf32, #tpu.memory_space<vmem_shared>> -> memref<79x128xf32, #tpu.memory_space<vmem_shared>>
      %dma_start3A_68 = arith.constant 0 : i32
      %dma_start3A_69 = tpu.memref_slice %arg10[%mul3A_25, %dma_start3A_68] : memref<10112x128xf32, #tpu.memory_space<vmem_shared>> -> memref<79x128xf32, #tpu.memory_space<vmem_shared>>
      tpu.enqueue_dma source(%arg9 : memref<79x128xf32, #tpu.memory_space<vmem>>) target(%dma_start3A_69 : memref<79x128xf32, #tpu.memory_space<vmem_shared>>) target_semaphore(%run_scoped3A : memref<!tpu.dma_semaphore, #tpu.memory_space<semaphore_mem>>)
      %dma_wait3A = arith.constant 0 : i32
      %dma_wait3A_70 = tpu.memref_slice %arg10[%mul3A_25, %dma_wait3A] : memref<10112x128xf32, #tpu.memory_space<vmem_shared>> -> memref<79x128xf32, #tpu.memory_space<vmem_shared>>
      %dma_wait3A_71 = arith.constant 0 : i32
      %dma_wait3A_72 = tpu.memref_slice %arg10[%mul3A_25, %dma_wait3A_71] : memref<10112x128xf32, #tpu.memory_space<vmem_shared>> -> memref<79x128xf32, #tpu.memory_space<vmem_shared>>
      tpu.wait_dma2 semaphore(%run_scoped3A : memref<!tpu.dma_semaphore, #tpu.memory_space<semaphore_mem>>) src(%arg9 : memref<79x128xf32, #tpu.memory_space<vmem>>) dst(%dma_wait3A_72 : memref<79x128xf32, #tpu.memory_space<vmem_shared>>)
      tpu.yield
    }) : () -> ()
    %mul3A_26 = arith.constant 8 : i32
    %mul3A_27 = arith.muli %arg1, %mul3A_26 : i32
    %add3A_28 = arith.constant 3 : i32
    %add3A_29 = arith.addi %mul3A_27, %add3A_28 : i32
    %mul3A_30 = arith.constant 79 : i32
    %mul3A_31 = arith.muli %add3A_29, %mul3A_30 : i32
    "tpu.region"() ({
      %run_scoped3A = tpu.sem_alloc : memref<!tpu.dma_semaphore, #tpu.memory_space<semaphore_mem>>
      %dma_start3A = arith.constant 0 : i32
      %dma_start3A_67 = tpu.memref_slice %arg10[%mul3A_31, %dma_start3A] : memref<10112x128xf32, #tpu.memory_space<vmem_shared>> -> memref<79x128xf32, #tpu.memory_space<vmem_shared>>
      %dma_start3A_68 = arith.constant 0 : i32
      %dma_start3A_69 = tpu.memref_slice %arg10[%mul3A_31, %dma_start3A_68] : memref<10112x128xf32, #tpu.memory_space<vmem_shared>> -> memref<79x128xf32, #tpu.memory_space<vmem_shared>>
      tpu.enqueue_dma source(%arg9 : memref<79x128xf32, #tpu.memory_space<vmem>>) target(%dma_start3A_69 : memref<79x128xf32, #tpu.memory_space<vmem_shared>>) target_semaphore(%run_scoped3A : memref<!tpu.dma_semaphore, #tpu.memory_space<semaphore_mem>>)
      %dma_wait3A = arith.constant 0 : i32
      %dma_wait3A_70 = tpu.memref_slice %arg10[%mul3A_31, %dma_wait3A] : memref<10112x128xf32, #tpu.memory_space<vmem_shared>> -> memref<79x128xf32, #tpu.memory_space<vmem_shared>>
      %dma_wait3A_71 = arith.constant 0 : i32
      %dma_wait3A_72 = tpu.memref_slice %arg10[%mul3A_31, %dma_wait3A_71] : memref<10112x128xf32, #tpu.memory_space<vmem_shared>> -> memref<79x128xf32, #tpu.memory_space<vmem_shared>>
      tpu.wait_dma2 semaphore(%run_scoped3A : memref<!tpu.dma_semaphore, #tpu.memory_space<semaphore_mem>>) src(%arg9 : memref<79x128xf32, #tpu.memory_space<vmem>>) dst(%dma_wait3A_72 : memref<79x128xf32, #tpu.memory_space<vmem_shared>>)
      tpu.yield
    }) : () -> ()
    %mul3A_32 = arith.constant 8 : i32
    %mul3A_33 = arith.muli %arg1, %mul3A_32 : i32
    %add3A_34 = arith.constant 4 : i32
    %add3A_35 = arith.addi %mul3A_33, %add3A_34 : i32
    %mul3A_36 = arith.constant 79 : i32
    %mul3A_37 = arith.muli %add3A_35, %mul3A_36 : i32
    "tpu.region"() ({
      %run_scoped3A = tpu.sem_alloc : memref<!tpu.dma_semaphore, #tpu.memory_space<semaphore_mem>>
      %dma_start3A = arith.constant 0 : i32
      %dma_start3A_67 = tpu.memref_slice %arg10[%mul3A_37, %dma_start3A] : memref<10112x128xf32, #tpu.memory_space<vmem_shared>> -> memref<79x128xf32, #tpu.memory_space<vmem_shared>>
      %dma_start3A_68 = arith.constant 0 : i32
      %dma_start3A_69 = tpu.memref_slice %arg10[%mul3A_37, %dma_start3A_68] : memref<10112x128xf32, #tpu.memory_space<vmem_shared>> -> memref<79x128xf32, #tpu.memory_space<vmem_shared>>
      tpu.enqueue_dma source(%arg9 : memref<79x128xf32, #tpu.memory_space<vmem>>) target(%dma_start3A_69 : memref<79x128xf32, #tpu.memory_space<vmem_shared>>) target_semaphore(%run_scoped3A : memref<!tpu.dma_semaphore, #tpu.memory_space<semaphore_mem>>)
      %dma_wait3A = arith.constant 0 : i32
      %dma_wait3A_70 = tpu.memref_slice %arg10[%mul3A_37, %dma_wait3A] : memref<10112x128xf32, #tpu.memory_space<vmem_shared>> -> memref<79x128xf32, #tpu.memory_space<vmem_shared>>
      %dma_wait3A_71 = arith.constant 0 : i32
      %dma_wait3A_72 = tpu.memref_slice %arg10[%mul3A_37, %dma_wait3A_71] : memref<10112x128xf32, #tpu.memory_space<vmem_shared>> -> memref<79x128xf32, #tpu.memory_space<vmem_shared>>
      tpu.wait_dma2 semaphore(%run_scoped3A : memref<!tpu.dma_semaphore, #tpu.memory_space<semaphore_mem>>) src(%arg9 : memref<79x128xf32, #tpu.memory_space<vmem>>) dst(%dma_wait3A_72 : memref<79x128xf32, #tpu.memory_space<vmem_shared>>)
      tpu.yield
    }) : () -> ()
    %mul3A_38 = arith.constant 8 : i32
    %mul3A_39 = arith.muli %arg1, %mul3A_38 : i32
    %add3A_40 = arith.constant 5 : i32
    %add3A_41 = arith.addi %mul3A_39, %add3A_40 : i32
    %mul3A_42 = arith.constant 79 : i32
    %mul3A_43 = arith.muli %add3A_41, %mul3A_42 : i32
    "tpu.region"() ({
      %run_scoped3A = tpu.sem_alloc : memref<!tpu.dma_semaphore, #tpu.memory_space<semaphore_mem>>
      %dma_start3A = arith.constant 0 : i32
      %dma_start3A_67 = tpu.memref_slice %arg10[%mul3A_43, %dma_start3A] : memref<10112x128xf32, #tpu.memory_space<vmem_shared>> -> memref<79x128xf32, #tpu.memory_space<vmem_shared>>
      %dma_start3A_68 = arith.constant 0 : i32
      %dma_start3A_69 = tpu.memref_slice %arg10[%mul3A_43, %dma_start3A_68] : memref<10112x128xf32, #tpu.memory_space<vmem_shared>> -> memref<79x128xf32, #tpu.memory_space<vmem_shared>>
      tpu.enqueue_dma source(%arg9 : memref<79x128xf32, #tpu.memory_space<vmem>>) target(%dma_start3A_69 : memref<79x128xf32, #tpu.memory_space<vmem_shared>>) target_semaphore(%run_scoped3A : memref<!tpu.dma_semaphore, #tpu.memory_space<semaphore_mem>>)
      %dma_wait3A = arith.constant 0 : i32
      %dma_wait3A_70 = tpu.memref_slice %arg10[%mul3A_43, %dma_wait3A] : memref<10112x128xf32, #tpu.memory_space<vmem_shared>> -> memref<79x128xf32, #tpu.memory_space<vmem_shared>>
      %dma_wait3A_71 = arith.constant 0 : i32
      %dma_wait3A_72 = tpu.memref_slice %arg10[%mul3A_43, %dma_wait3A_71] : memref<10112x128xf32, #tpu.memory_space<vmem_shared>> -> memref<79x128xf32, #tpu.memory_space<vmem_shared>>
      tpu.wait_dma2 semaphore(%run_scoped3A : memref<!tpu.dma_semaphore, #tpu.memory_space<semaphore_mem>>) src(%arg9 : memref<79x128xf32, #tpu.memory_space<vmem>>) dst(%dma_wait3A_72 : memref<79x128xf32, #tpu.memory_space<vmem_shared>>)
      tpu.yield
    }) : () -> ()
    %mul3A_44 = arith.constant 8 : i32
    %mul3A_45 = arith.muli %arg1, %mul3A_44 : i32
    %add3A_46 = arith.constant 6 : i32
    %add3A_47 = arith.addi %mul3A_45, %add3A_46 : i32
    %mul3A_48 = arith.constant 79 : i32
    %mul3A_49 = arith.muli %add3A_47, %mul3A_48 : i32
    "tpu.region"() ({
      %run_scoped3A = tpu.sem_alloc : memref<!tpu.dma_semaphore, #tpu.memory_space<semaphore_mem>>
      %dma_start3A = arith.constant 0 : i32
      %dma_start3A_67 = tpu.memref_slice %arg10[%mul3A_49, %dma_start3A] : memref<10112x128xf32, #tpu.memory_space<vmem_shared>> -> memref<79x128xf32, #tpu.memory_space<vmem_shared>>
      %dma_start3A_68 = arith.constant 0 : i32
      %dma_start3A_69 = tpu.memref_slice %arg10[%mul3A_49, %dma_start3A_68] : memref<10112x128xf32, #tpu.memory_space<vmem_shared>> -> memref<79x128xf32, #tpu.memory_space<vmem_shared>>
      tpu.enqueue_dma source(%arg9 : memref<79x128xf32, #tpu.memory_space<vmem>>) target(%dma_start3A_69 : memref<79x128xf32, #tpu.memory_space<vmem_shared>>) target_semaphore(%run_scoped3A : memref<!tpu.dma_semaphore, #tpu.memory_space<semaphore_mem>>)
      %dma_wait3A = arith.constant 0 : i32
      %dma_wait3A_70 = tpu.memref_slice %arg10[%mul3A_49, %dma_wait3A] : memref<10112x128xf32, #tpu.memory_space<vmem_shared>> -> memref<79x128xf32, #tpu.memory_space<vmem_shared>>
      %dma_wait3A_71 = arith.constant 0 : i32
      %dma_wait3A_72 = tpu.memref_slice %arg10[%mul3A_49, %dma_wait3A_71] : memref<10112x128xf32, #tpu.memory_space<vmem_shared>> -> memref<79x128xf32, #tpu.memory_space<vmem_shared>>
      tpu.wait_dma2 semaphore(%run_scoped3A : memref<!tpu.dma_semaphore, #tpu.memory_space<semaphore_mem>>) src(%arg9 : memref<79x128xf32, #tpu.memory_space<vmem>>) dst(%dma_wait3A_72 : memref<79x128xf32, #tpu.memory_space<vmem_shared>>)
      tpu.yield
    }) : () -> ()
    %mul3A_50 = arith.constant 8 : i32
    %mul3A_51 = arith.muli %arg1, %mul3A_50 : i32
    %add3A_52 = arith.constant 7 : i32
    %add3A_53 = arith.addi %mul3A_51, %add3A_52 : i32
    %mul3A_54 = arith.constant 79 : i32
    %mul3A_55 = arith.muli %add3A_53, %mul3A_54 : i32
    "tpu.region"() ({
      %run_scoped3A = tpu.sem_alloc : memref<!tpu.dma_semaphore, #tpu.memory_space<semaphore_mem>>
      %dma_start3A = arith.constant 0 : i32
      %dma_start3A_67 = tpu.memref_slice %arg10[%mul3A_55, %dma_start3A] : memref<10112x128xf32, #tpu.memory_space<vmem_shared>> -> memref<79x128xf32, #tpu.memory_space<vmem_shared>>
      %dma_start3A_68 = arith.constant 0 : i32
      %dma_start3A_69 = tpu.memref_slice %arg10[%mul3A_55, %dma_start3A_68] : memref<10112x128xf32, #tpu.memory_space<vmem_shared>> -> memref<79x128xf32, #tpu.memory_space<vmem_shared>>
      tpu.enqueue_dma source(%arg9 : memref<79x128xf32, #tpu.memory_space<vmem>>) target(%dma_start3A_69 : memref<79x128xf32, #tpu.memory_space<vmem_shared>>) target_semaphore(%run_scoped3A : memref<!tpu.dma_semaphore, #tpu.memory_space<semaphore_mem>>)
      %dma_wait3A = arith.constant 0 : i32
      %dma_wait3A_70 = tpu.memref_slice %arg10[%mul3A_55, %dma_wait3A] : memref<10112x128xf32, #tpu.memory_space<vmem_shared>> -> memref<79x128xf32, #tpu.memory_space<vmem_shared>>
      %dma_wait3A_71 = arith.constant 0 : i32
      %dma_wait3A_72 = tpu.memref_slice %arg10[%mul3A_55, %dma_wait3A_71] : memref<10112x128xf32, #tpu.memory_space<vmem_shared>> -> memref<79x128xf32, #tpu.memory_space<vmem_shared>>
      tpu.wait_dma2 semaphore(%run_scoped3A : memref<!tpu.dma_semaphore, #tpu.memory_space<semaphore_mem>>) src(%arg9 : memref<79x128xf32, #tpu.memory_space<vmem>>) dst(%dma_wait3A_72 : memref<79x128xf32, #tpu.memory_space<vmem_shared>>)
      tpu.yield
    }) : () -> ()
    %barrier3A = arith.constant 0 : index
    tpu.barrier barrier_id(%barrier3A)
    %scan3A_56 = arith.constant 0 : i32
    %scan3A_57 = arith.constant 0 : i32
    %scan3A_58 = arith.constant 125 : i32
    %scan3A_59 = arith.addi %scan3A_57, %scan3A_58 : i32
    %scan3A_60 = arith.constant 1 : i32
    scf.for %scan3A_67 = %scan3A_57 to %scan3A_59 step %scan3A_60  : i32 {
      %mul3A_68 = arith.constant 80 : i32
      %mul3A_69 = arith.muli %scan3A_67, %mul3A_68 : i32
      %add3A_70 = arith.addi %mul3A_2, %mul3A_69 : i32
      "tpu.region"() ({
        %run_scoped3A = tpu.sem_alloc : memref<!tpu.dma_semaphore, #tpu.memory_space<semaphore_mem>>
        %dma_start3A_75 = tpu.memref_slice %arg2[%add3A_70] : memref<320000xi32, #tpu.memory_space<hbm>> -> memref<80xi32, #tpu.memory_space<hbm>>
        %dma_start3A_76 = tpu.memref_slice %arg2[%add3A_70] : memref<320000xi32, #tpu.memory_space<hbm>> -> memref<80xi32, #tpu.memory_space<hbm>>
        tpu.enqueue_dma source(%dma_start3A_76 : memref<80xi32, #tpu.memory_space<hbm>>) target(%arg6 : memref<80xi32, #tpu.memory_space<vmem>>) target_semaphore(%run_scoped3A : memref<!tpu.dma_semaphore, #tpu.memory_space<semaphore_mem>>)
        %dma_wait3A_77 = tpu.memref_slice %arg2[%add3A_70] : memref<320000xi32, #tpu.memory_space<hbm>> -> memref<80xi32, #tpu.memory_space<hbm>>
        %dma_wait3A_78 = tpu.memref_slice %arg2[%add3A_70] : memref<320000xi32, #tpu.memory_space<hbm>> -> memref<80xi32, #tpu.memory_space<hbm>>
        tpu.wait_dma2 semaphore(%run_scoped3A : memref<!tpu.dma_semaphore, #tpu.memory_space<semaphore_mem>>) src(%dma_wait3A_78 : memref<80xi32, #tpu.memory_space<hbm>>) dst(%arg6 : memref<80xi32, #tpu.memory_space<vmem>>)
        tpu.yield
      }) : () -> ()
      "tpu.region"() ({
        %run_scoped3A = tpu.sem_alloc : memref<!tpu.dma_semaphore, #tpu.memory_space<semaphore_mem>>
        %dma_start3A_75 = tpu.memref_slice %arg3[%add3A_70] : memref<320000xi32, #tpu.memory_space<hbm>> -> memref<80xi32, #tpu.memory_space<hbm>>
        %dma_start3A_76 = tpu.memref_slice %arg3[%add3A_70] : memref<320000xi32, #tpu.memory_space<hbm>> -> memref<80xi32, #tpu.memory_space<hbm>>
        tpu.enqueue_dma source(%dma_start3A_76 : memref<80xi32, #tpu.memory_space<hbm>>) target(%arg7 : memref<80xi32, #tpu.memory_space<vmem>>) target_semaphore(%run_scoped3A : memref<!tpu.dma_semaphore, #tpu.memory_space<semaphore_mem>>)
        %dma_wait3A_77 = tpu.memref_slice %arg3[%add3A_70] : memref<320000xi32, #tpu.memory_space<hbm>> -> memref<80xi32, #tpu.memory_space<hbm>>
        %dma_wait3A_78 = tpu.memref_slice %arg3[%add3A_70] : memref<320000xi32, #tpu.memory_space<hbm>> -> memref<80xi32, #tpu.memory_space<hbm>>
        tpu.wait_dma2 semaphore(%run_scoped3A : memref<!tpu.dma_semaphore, #tpu.memory_space<semaphore_mem>>) src(%dma_wait3A_78 : memref<80xi32, #tpu.memory_space<hbm>>) dst(%arg7 : memref<80xi32, #tpu.memory_space<vmem>>)
        tpu.yield
      }) : () -> ()
      %dma_start3A = arith.constant 0 : i32
      %dma_start3A_71 = arith.constant 0 : i32
      %dma_start3A_72 = tpu.memref_slice %arg4[%dma_start3A, %dma_start3A_71] : memref<10000x128xf32, #tpu.memory_space<hbm>> -> memref<10000x128xf32, #tpu.memory_space<hbm>>
      tpu.enqueue_indirect_dma source(%dma_start3A_72 : memref<10000x128xf32, #tpu.memory_space<hbm>>) target(%arg8 : memref<80x128xf32, #tpu.memory_space<vmem>>) offsets(%arg6 : memref<80xi32, #tpu.memory_space<vmem>>) semaphore(%arg11 : memref<!tpu.dma_semaphore, #tpu.memory_space<semaphore_mem>>)
      %dma_wait3A = arith.constant 0 : i32
      %dma_wait3A_73 = arith.constant 0 : i32
      %dma_wait3A_74 = tpu.memref_slice %arg4[%dma_wait3A, %dma_wait3A_73] : memref<10000x128xf32, #tpu.memory_space<hbm>> -> memref<10000x128xf32, #tpu.memory_space<hbm>>
      tpu.wait_indirect_dma semaphore(%arg11 : memref<!tpu.dma_semaphore, #tpu.memory_space<semaphore_mem>>) src(%dma_wait3A_74 : memref<10000x128xf32, #tpu.memory_space<hbm>>) dst(%arg8 : memref<80x128xf32, #tpu.memory_space<vmem>>)
      "tpu.region"() ({
        %run_scoped3A = tpu.sem_alloc : memref<!tpu.dma_semaphore, #tpu.memory_space<semaphore_mem>>
        %dma_start3A_75 = arith.constant 0 : i32
        %dma_start3A_76 = arith.constant 0 : i32
        %dma_start3A_77 = tpu.memref_slice %arg10[%dma_start3A_75, %dma_start3A_76] : memref<10112x128xf32, #tpu.memory_space<vmem_shared>> -> memref<10112x128xf32, #tpu.memory_space<vmem_shared>>
        tpu.enqueue_indirect_dma source(%arg8 : memref<80x128xf32, #tpu.memory_space<vmem>>) target(%dma_start3A_77 : memref<10112x128xf32, #tpu.memory_space<vmem_shared>>) offsets(%arg7 : memref<80xi32, #tpu.memory_space<vmem>>) semaphore(%run_scoped3A : memref<!tpu.dma_semaphore, #tpu.memory_space<semaphore_mem>>) {add = true}
        %dma_wait3A_78 = arith.constant 0 : i32
        %dma_wait3A_79 = arith.constant 0 : i32
        %dma_wait3A_80 = tpu.memref_slice %arg10[%dma_wait3A_78, %dma_wait3A_79] : memref<10112x128xf32, #tpu.memory_space<vmem_shared>> -> memref<10112x128xf32, #tpu.memory_space<vmem_shared>>
        tpu.wait_indirect_dma semaphore(%run_scoped3A : memref<!tpu.dma_semaphore, #tpu.memory_space<semaphore_mem>>) src(%arg8 : memref<80x128xf32, #tpu.memory_space<vmem>>) dst(%dma_wait3A_80 : memref<10112x128xf32, #tpu.memory_space<vmem_shared>>)
        tpu.yield
      }) : () -> ()
    }
    %scan3A_61 = arith.constant 125 : i32
    %barrier3A_62 = arith.constant 0 : index
    tpu.barrier barrier_id(%barrier3A_62)
    %mul3A_63 = arith.constant 632 : i32
    %mul3A_64 = arith.muli %arg1, %mul3A_63 : i32
    %mul3A_65 = arith.constant 632 : i32
    %mul3A_66 = arith.muli %arg1, %mul3A_65 : i32
    "tpu.region"() ({
      %run_scoped3A = tpu.sem_alloc : memref<!tpu.dma_semaphore, #tpu.memory_space<semaphore_mem>>
      %dma_start3A = arith.constant 0 : i32
      %dma_start3A_67 = tpu.memref_slice %arg5[%arg0, %mul3A_66, %dma_start3A] : memref<2x10112x128xf32, #tpu.memory_space<hbm>> -> memref<1x632x128xf32, #tpu.memory_space<hbm>>
      %dma_start3A_68 = tpu.memref_squeeze %dma_start3A_67 : memref<1x632x128xf32, #tpu.memory_space<hbm>> -> memref<632x128xf32, #tpu.memory_space<hbm>>
      %dma_start3A_69 = arith.constant 0 : i32
      %dma_start3A_70 = tpu.memref_slice %arg10[%mul3A_64, %dma_start3A_69] : memref<10112x128xf32, #tpu.memory_space<vmem_shared>> -> memref<632x128xf32, #tpu.memory_space<vmem_shared>>
      tpu.enqueue_dma source(%dma_start3A_70 : memref<632x128xf32, #tpu.memory_space<vmem_shared>>) target(%dma_start3A_68 : memref<632x128xf32, #tpu.memory_space<hbm>>) target_semaphore(%run_scoped3A : memref<!tpu.dma_semaphore, #tpu.memory_space<semaphore_mem>>)
      %dma_wait3A = arith.constant 0 : i32
      %dma_wait3A_71 = tpu.memref_slice %arg5[%arg0, %mul3A_66, %dma_wait3A] : memref<2x10112x128xf32, #tpu.memory_space<hbm>> -> memref<1x632x128xf32, #tpu.memory_space<hbm>>
      %dma_wait3A_72 = tpu.memref_squeeze %dma_wait3A_71 : memref<1x632x128xf32, #tpu.memory_space<hbm>> -> memref<632x128xf32, #tpu.memory_space<hbm>>
      %dma_wait3A_73 = arith.constant 0 : i32
      %dma_wait3A_74 = tpu.memref_slice %arg10[%mul3A_64, %dma_wait3A_73] : memref<10112x128xf32, #tpu.memory_space<vmem_shared>> -> memref<632x128xf32, #tpu.memory_space<vmem_shared>>
      tpu.wait_dma2 semaphore(%run_scoped3A : memref<!tpu.dma_semaphore, #tpu.memory_space<semaphore_mem>>) src(%dma_wait3A_74 : memref<632x128xf32, #tpu.memory_space<vmem_shared>>) dst(%dma_wait3A_72 : memref<632x128xf32, #tpu.memory_space<hbm>>)
      tpu.yield
    }) : () -> ()
    return
  }
}

#map = affine_map<(d0, d1) -> (0)>
#map1 = affine_map<(d0, d1) -> (0, 0)>
#map2 = affine_map<(d0, d1) -> (0, 0, 0)>
module attributes {stable_mosaic.version = 14 : i64} {
  func.func @seg(%arg0: i32, %arg1: i32, %arg2: memref<320000xi32, #tpu.memory_space<hbm>>, %arg3: memref<320000xi32, #tpu.memory_space<hbm>>, %arg4: memref<10000x128xf32, #tpu.memory_space<hbm>>, %arg5: memref<2x10112x128xf32, #tpu.memory_space<hbm>>, %arg6: memref<80xi32, #tpu.memory_space<vmem>>, %arg7: memref<80xi32, #tpu.memory_space<vmem>>, %arg8: memref<80x128xf32, #tpu.memory_space<vmem>>, %arg9: memref<79x128xf32, #tpu.memory_space<vmem>>, %arg10: memref<10112x128xf32, #tpu.memory_space<vmem_shared>>, %arg11: memref<!tpu.dma_semaphore, #tpu.memory_space<semaphore_mem>>) attributes {dimension_semantics = [#tpu.dimension_semantics<core_parallel>, #tpu.dimension_semantics<subcore_parallel>], iteration_bounds = array<i64: 2, 16>, scalar_prefetch = 0 : i64, scratch_operands = 6 : i64, tpu.core_type = #tpu.core_type<sc_vector_subcore>, window_params = [{transform_indices = #map}, {transform_indices = #map}, {transform_indices = #map1}, {transform_indices = #map2}]} {
    %mul3A = arith.constant 16 : i32
    %mul3A_0 = arith.muli %arg0, %mul3A : i32
    %add3A = arith.addi %mul3A_0, %arg1 : i32
    %mul3A_1 = arith.constant 10000 : i32
    %mul3A_2 = arith.muli %add3A, %mul3A_1 : i32
    %scan3A = arith.constant 0 : i32
    %scan3A_3 = arith.constant 0 : i32
    %scan3A_4 = arith.constant 632 : i32
    %scan3A_5 = arith.addi %scan3A_3, %scan3A_4 : i32
    %scan3A_6 = arith.constant 1 : i32
    scf.for %scan3A_67 = %scan3A_3 to %scan3A_5 step %scan3A_6  : i32 {
      %jit3A = arith.constant 8 : i32
      %div3A = arith.divsi %scan3A_67, %jit3A : i32
      %sign3A = arith.constant 0 : i32
      %sign3A_68 = arith.cmpi sgt, %scan3A_67, %sign3A : i32
      %sign3A_69 = arith.extui %sign3A_68 : i1 to i32
      %sign3A_70 = arith.constant 0 : i32
      %sign3A_71 = arith.cmpi slt, %scan3A_67, %sign3A_70 : i32
      %sign3A_72 = arith.extui %sign3A_71 : i1 to i32
      %sign3A_73 = arith.subi %sign3A_69, %sign3A_72 : i32
      %sign3A_74 = arith.constant 0 : i32
      %sign3A_75 = arith.cmpi sgt, %jit3A, %sign3A_74 : i32
      %sign3A_76 = arith.extui %sign3A_75 : i1 to i32
      %sign3A_77 = arith.constant 0 : i32
      %sign3A_78 = arith.cmpi slt, %jit3A, %sign3A_77 : i32
      %sign3A_79 = arith.extui %sign3A_78 : i1 to i32
      %sign3A_80 = arith.subi %sign3A_76, %sign3A_79 : i32
      %ne3A = arith.cmpi ne, %sign3A_73, %sign3A_80 : i32
      %rem3A = arith.remsi %scan3A_67, %jit3A : i32
      %ne3A_81 = arith.constant 0 : i32
      %ne3A_82 = arith.cmpi ne, %rem3A, %ne3A_81 : i32
      %and3A = arith.andi %ne3A, %ne3A_82 : i1
      %sub3A = arith.constant 1 : i32
      %sub3A_83 = arith.subi %div3A, %sub3A : i32
      %select_n3A = arith.select %and3A, %sub3A_83, %div3A : i32
      %jit3A_84 = arith.constant 8 : i32
      %eq3A = arith.constant 0 : i32
      %eq3A_85 = arith.cmpi eq, %jit3A_84, %eq3A : i32
      %jit3A_86 = arith.constant 1 : i32
      %select_n3A_87 = arith.select %eq3A_85, %jit3A_86, %jit3A_84 : i32
      %rem3A_88 = arith.remsi %scan3A_67, %select_n3A_87 : i32
      %ne3A_89 = arith.constant 0 : i32
      %ne3A_90 = arith.cmpi ne, %rem3A_88, %ne3A_89 : i32
      %lt3A = arith.constant 0 : i32
      %lt3A_91 = arith.cmpi slt, %rem3A_88, %lt3A : i32
      %lt3A_92 = arith.constant 0 : i32
      %lt3A_93 = arith.cmpi slt, %select_n3A_87, %lt3A_92 : i32
      %ne3A_94 = arith.xori %lt3A_91, %lt3A_93 : i1
      %and3A_95 = arith.andi %ne3A_94, %ne3A_90 : i1
      %add3A_96 = arith.addi %rem3A_88, %select_n3A_87 : i32
      %select_n3A_97 = arith.select %and3A_95, %add3A_96, %rem3A_88 : i32
      %broadcast_in_dim3A = arith.constant 0.000000e+00 : f32
      %broadcast_in_dim3A_98 = vector.broadcast %broadcast_in_dim3A : f32 to vector<16xf32>
      %mul3A_99 = arith.constant 16 : i32
      %mul3A_100 = arith.muli %select_n3A_97, %mul3A_99 : i32
      %swap3A = arith.index_cast %select_n3A : i32 to index
      %swap3A_101 = arith.index_cast %mul3A_100 : i32 to index
      %swap3A_102 = tpu.vector_load %arg9[%swap3A, %swap3A_101] {strides = array<i32>} : memref<79x128xf32, #tpu.memory_space<vmem>>, vector<16xf32>,
      tpu.vector_store %arg9[%swap3A, %swap3A_101], %broadcast_in_dim3A_98 {strides = array<i32>} : memref<79x128xf32, #tpu.memory_space<vmem>>, vector<16xf32>,
    }
    %scan3A_7 = arith.constant 632 : i32
    %mul3A_8 = arith.constant 8 : i32
    %mul3A_9 = arith.muli %arg1, %mul3A_8 : i32
    %add3A_10 = arith.constant 0 : i32
    %add3A_11 = arith.addi %mul3A_9, %add3A_10 : i32
    %mul3A_12 = arith.constant 79 : i32
    %mul3A_13 = arith.muli %add3A_11, %mul3A_12 : i32
    "tpu.region"() ({
      %run_scoped3A = tpu.sem_alloc : memref<!tpu.dma_semaphore, #tpu.memory_space<semaphore_mem>>
      %dma_start3A = arith.constant 0 : i32
      %dma_start3A_67 = tpu.memref_slice %arg10[%mul3A_13, %dma_start3A] : memref<10112x128xf32, #tpu.memory_space<vmem_shared>> -> memref<79x128xf32, #tpu.memory_space<vmem_shared>>
      %dma_start3A_68 = arith.constant 0 : i32
      %dma_start3A_69 = tpu.memref_slice %arg10[%mul3A_13, %dma_start3A_68] : memref<10112x128xf32, #tpu.memory_space<vmem_shared>> -> memref<79x128xf32, #tpu.memory_space<vmem_shared>>
      tpu.enqueue_dma source(%arg9 : memref<79x128xf32, #tpu.memory_space<vmem>>) target(%dma_start3A_69 : memref<79x128xf32, #tpu.memory_space<vmem_shared>>) target_semaphore(%run_scoped3A : memref<!tpu.dma_semaphore, #tpu.memory_space<semaphore_mem>>)
      %dma_wait3A = arith.constant 0 : i32
      %dma_wait3A_70 = tpu.memref_slice %arg10[%mul3A_13, %dma_wait3A] : memref<10112x128xf32, #tpu.memory_space<vmem_shared>> -> memref<79x128xf32, #tpu.memory_space<vmem_shared>>
      %dma_wait3A_71 = arith.constant 0 : i32
      %dma_wait3A_72 = tpu.memref_slice %arg10[%mul3A_13, %dma_wait3A_71] : memref<10112x128xf32, #tpu.memory_space<vmem_shared>> -> memref<79x128xf32, #tpu.memory_space<vmem_shared>>
      tpu.wait_dma2 semaphore(%run_scoped3A : memref<!tpu.dma_semaphore, #tpu.memory_space<semaphore_mem>>) src(%arg9 : memref<79x128xf32, #tpu.memory_space<vmem>>) dst(%dma_wait3A_72 : memref<79x128xf32, #tpu.memory_space<vmem_shared>>)
      tpu.yield
    }) : () -> ()
    %mul3A_14 = arith.constant 8 : i32
    %mul3A_15 = arith.muli %arg1, %mul3A_14 : i32
    %add3A_16 = arith.constant 1 : i32
    %add3A_17 = arith.addi %mul3A_15, %add3A_16 : i32
    %mul3A_18 = arith.constant 79 : i32
    %mul3A_19 = arith.muli %add3A_17, %mul3A_18 : i32
    "tpu.region"() ({
      %run_scoped3A = tpu.sem_alloc : memref<!tpu.dma_semaphore, #tpu.memory_space<semaphore_mem>>
      %dma_start3A = arith.constant 0 : i32
      %dma_start3A_67 = tpu.memref_slice %arg10[%mul3A_19, %dma_start3A] : memref<10112x128xf32, #tpu.memory_space<vmem_shared>> -> memref<79x128xf32, #tpu.memory_space<vmem_shared>>
      %dma_start3A_68 = arith.constant 0 : i32
      %dma_start3A_69 = tpu.memref_slice %arg10[%mul3A_19, %dma_start3A_68] : memref<10112x128xf32, #tpu.memory_space<vmem_shared>> -> memref<79x128xf32, #tpu.memory_space<vmem_shared>>
      tpu.enqueue_dma source(%arg9 : memref<79x128xf32, #tpu.memory_space<vmem>>) target(%dma_start3A_69 : memref<79x128xf32, #tpu.memory_space<vmem_shared>>) target_semaphore(%run_scoped3A : memref<!tpu.dma_semaphore, #tpu.memory_space<semaphore_mem>>)
      %dma_wait3A = arith.constant 0 : i32
      %dma_wait3A_70 = tpu.memref_slice %arg10[%mul3A_19, %dma_wait3A] : memref<10112x128xf32, #tpu.memory_space<vmem_shared>> -> memref<79x128xf32, #tpu.memory_space<vmem_shared>>
      %dma_wait3A_71 = arith.constant 0 : i32
      %dma_wait3A_72 = tpu.memref_slice %arg10[%mul3A_19, %dma_wait3A_71] : memref<10112x128xf32, #tpu.memory_space<vmem_shared>> -> memref<79x128xf32, #tpu.memory_space<vmem_shared>>
      tpu.wait_dma2 semaphore(%run_scoped3A : memref<!tpu.dma_semaphore, #tpu.memory_space<semaphore_mem>>) src(%arg9 : memref<79x128xf32, #tpu.memory_space<vmem>>) dst(%dma_wait3A_72 : memref<79x128xf32, #tpu.memory_space<vmem_shared>>)
      tpu.yield
    }) : () -> ()
    %mul3A_20 = arith.constant 8 : i32
    %mul3A_21 = arith.muli %arg1, %mul3A_20 : i32
    %add3A_22 = arith.constant 2 : i32
    %add3A_23 = arith.addi %mul3A_21, %add3A_22 : i32
    %mul3A_24 = arith.constant 79 : i32
    %mul3A_25 = arith.muli %add3A_23, %mul3A_24 : i32
    "tpu.region"() ({
      %run_scoped3A = tpu.sem_alloc : memref<!tpu.dma_semaphore, #tpu.memory_space<semaphore_mem>>
      %dma_start3A = arith.constant 0 : i32
      %dma_start3A_67 = tpu.memref_slice %arg10[%mul3A_25, %dma_start3A] : memref<10112x128xf32, #tpu.memory_space<vmem_shared>> -> memref<79x128xf32, #tpu.memory_space<vmem_shared>>
      %dma_start3A_68 = arith.constant 0 : i32
      %dma_start3A_69 = tpu.memref_slice %arg10[%mul3A_25, %dma_start3A_68] : memref<10112x128xf32, #tpu.memory_space<vmem_shared>> -> memref<79x128xf32, #tpu.memory_space<vmem_shared>>
      tpu.enqueue_dma source(%arg9 : memref<79x128xf32, #tpu.memory_space<vmem>>) target(%dma_start3A_69 : memref<79x128xf32, #tpu.memory_space<vmem_shared>>) target_semaphore(%run_scoped3A : memref<!tpu.dma_semaphore, #tpu.memory_space<semaphore_mem>>)
      %dma_wait3A = arith.constant 0 : i32
      %dma_wait3A_70 = tpu.memref_slice %arg10[%mul3A_25, %dma_wait3A] : memref<10112x128xf32, #tpu.memory_space<vmem_shared>> -> memref<79x128xf32, #tpu.memory_space<vmem_shared>>
      %dma_wait3A_71 = arith.constant 0 : i32
      %dma_wait3A_72 = tpu.memref_slice %arg10[%mul3A_25, %dma_wait3A_71] : memref<10112x128xf32, #tpu.memory_space<vmem_shared>> -> memref<79x128xf32, #tpu.memory_space<vmem_shared>>
      tpu.wait_dma2 semaphore(%run_scoped3A : memref<!tpu.dma_semaphore, #tpu.memory_space<semaphore_mem>>) src(%arg9 : memref<79x128xf32, #tpu.memory_space<vmem>>) dst(%dma_wait3A_72 : memref<79x128xf32, #tpu.memory_space<vmem_shared>>)
      tpu.yield
    }) : () -> ()
    %mul3A_26 = arith.constant 8 : i32
    %mul3A_27 = arith.muli %arg1, %mul3A_26 : i32
    %add3A_28 = arith.constant 3 : i32
    %add3A_29 = arith.addi %mul3A_27, %add3A_28 : i32
    %mul3A_30 = arith.constant 79 : i32
    %mul3A_31 = arith.muli %add3A_29, %mul3A_30 : i32
    "tpu.region"() ({
      %run_scoped3A = tpu.sem_alloc : memref<!tpu.dma_semaphore, #tpu.memory_space<semaphore_mem>>
      %dma_start3A = arith.constant 0 : i32
      %dma_start3A_67 = tpu.memref_slice %arg10[%mul3A_31, %dma_start3A] : memref<10112x128xf32, #tpu.memory_space<vmem_shared>> -> memref<79x128xf32, #tpu.memory_space<vmem_shared>>
      %dma_start3A_68 = arith.constant 0 : i32
      %dma_start3A_69 = tpu.memref_slice %arg10[%mul3A_31, %dma_start3A_68] : memref<10112x128xf32, #tpu.memory_space<vmem_shared>> -> memref<79x128xf32, #tpu.memory_space<vmem_shared>>
      tpu.enqueue_dma source(%arg9 : memref<79x128xf32, #tpu.memory_space<vmem>>) target(%dma_start3A_69 : memref<79x128xf32, #tpu.memory_space<vmem_shared>>) target_semaphore(%run_scoped3A : memref<!tpu.dma_semaphore, #tpu.memory_space<semaphore_mem>>)
      %dma_wait3A = arith.constant 0 : i32
      %dma_wait3A_70 = tpu.memref_slice %arg10[%mul3A_31, %dma_wait3A] : memref<10112x128xf32, #tpu.memory_space<vmem_shared>> -> memref<79x128xf32, #tpu.memory_space<vmem_shared>>
      %dma_wait3A_71 = arith.constant 0 : i32
      %dma_wait3A_72 = tpu.memref_slice %arg10[%mul3A_31, %dma_wait3A_71] : memref<10112x128xf32, #tpu.memory_space<vmem_shared>> -> memref<79x128xf32, #tpu.memory_space<vmem_shared>>
      tpu.wait_dma2 semaphore(%run_scoped3A : memref<!tpu.dma_semaphore, #tpu.memory_space<semaphore_mem>>) src(%arg9 : memref<79x128xf32, #tpu.memory_space<vmem>>) dst(%dma_wait3A_72 : memref<79x128xf32, #tpu.memory_space<vmem_shared>>)
      tpu.yield
    }) : () -> ()
    %mul3A_32 = arith.constant 8 : i32
    %mul3A_33 = arith.muli %arg1, %mul3A_32 : i32
    %add3A_34 = arith.constant 4 : i32
    %add3A_35 = arith.addi %mul3A_33, %add3A_34 : i32
    %mul3A_36 = arith.constant 79 : i32
    %mul3A_37 = arith.muli %add3A_35, %mul3A_36 : i32
    "tpu.region"() ({
      %run_scoped3A = tpu.sem_alloc : memref<!tpu.dma_semaphore, #tpu.memory_space<semaphore_mem>>
      %dma_start3A = arith.constant 0 : i32
      %dma_start3A_67 = tpu.memref_slice %arg10[%mul3A_37, %dma_start3A] : memref<10112x128xf32, #tpu.memory_space<vmem_shared>> -> memref<79x128xf32, #tpu.memory_space<vmem_shared>>
      %dma_start3A_68 = arith.constant 0 : i32
      %dma_start3A_69 = tpu.memref_slice %arg10[%mul3A_37, %dma_start3A_68] : memref<10112x128xf32, #tpu.memory_space<vmem_shared>> -> memref<79x128xf32, #tpu.memory_space<vmem_shared>>
      tpu.enqueue_dma source(%arg9 : memref<79x128xf32, #tpu.memory_space<vmem>>) target(%dma_start3A_69 : memref<79x128xf32, #tpu.memory_space<vmem_shared>>) target_semaphore(%run_scoped3A : memref<!tpu.dma_semaphore, #tpu.memory_space<semaphore_mem>>)
      %dma_wait3A = arith.constant 0 : i32
      %dma_wait3A_70 = tpu.memref_slice %arg10[%mul3A_37, %dma_wait3A] : memref<10112x128xf32, #tpu.memory_space<vmem_shared>> -> memref<79x128xf32, #tpu.memory_space<vmem_shared>>
      %dma_wait3A_71 = arith.constant 0 : i32
      %dma_wait3A_72 = tpu.memref_slice %arg10[%mul3A_37, %dma_wait3A_71] : memref<10112x128xf32, #tpu.memory_space<vmem_shared>> -> memref<79x128xf32, #tpu.memory_space<vmem_shared>>
      tpu.wait_dma2 semaphore(%run_scoped3A : memref<!tpu.dma_semaphore, #tpu.memory_space<semaphore_mem>>) src(%arg9 : memref<79x128xf32, #tpu.memory_space<vmem>>) dst(%dma_wait3A_72 : memref<79x128xf32, #tpu.memory_space<vmem_shared>>)
      tpu.yield
    }) : () -> ()
    %mul3A_38 = arith.constant 8 : i32
    %mul3A_39 = arith.muli %arg1, %mul3A_38 : i32
    %add3A_40 = arith.constant 5 : i32
    %add3A_41 = arith.addi %mul3A_39, %add3A_40 : i32
    %mul3A_42 = arith.constant 79 : i32
    %mul3A_43 = arith.muli %add3A_41, %mul3A_42 : i32
    "tpu.region"() ({
      %run_scoped3A = tpu.sem_alloc : memref<!tpu.dma_semaphore, #tpu.memory_space<semaphore_mem>>
      %dma_start3A = arith.constant 0 : i32
      %dma_start3A_67 = tpu.memref_slice %arg10[%mul3A_43, %dma_start3A] : memref<10112x128xf32, #tpu.memory_space<vmem_shared>> -> memref<79x128xf32, #tpu.memory_space<vmem_shared>>
      %dma_start3A_68 = arith.constant 0 : i32
      %dma_start3A_69 = tpu.memref_slice %arg10[%mul3A_43, %dma_start3A_68] : memref<10112x128xf32, #tpu.memory_space<vmem_shared>> -> memref<79x128xf32, #tpu.memory_space<vmem_shared>>
      tpu.enqueue_dma source(%arg9 : memref<79x128xf32, #tpu.memory_space<vmem>>) target(%dma_start3A_69 : memref<79x128xf32, #tpu.memory_space<vmem_shared>>) target_semaphore(%run_scoped3A : memref<!tpu.dma_semaphore, #tpu.memory_space<semaphore_mem>>)
      %dma_wait3A = arith.constant 0 : i32
      %dma_wait3A_70 = tpu.memref_slice %arg10[%mul3A_43, %dma_wait3A] : memref<10112x128xf32, #tpu.memory_space<vmem_shared>> -> memref<79x128xf32, #tpu.memory_space<vmem_shared>>
      %dma_wait3A_71 = arith.constant 0 : i32
      %dma_wait3A_72 = tpu.memref_slice %arg10[%mul3A_43, %dma_wait3A_71] : memref<10112x128xf32, #tpu.memory_space<vmem_shared>> -> memref<79x128xf32, #tpu.memory_space<vmem_shared>>
      tpu.wait_dma2 semaphore(%run_scoped3A : memref<!tpu.dma_semaphore, #tpu.memory_space<semaphore_mem>>) src(%arg9 : memref<79x128xf32, #tpu.memory_space<vmem>>) dst(%dma_wait3A_72 : memref<79x128xf32, #tpu.memory_space<vmem_shared>>)
      tpu.yield
    }) : () -> ()
    %mul3A_44 = arith.constant 8 : i32
    %mul3A_45 = arith.muli %arg1, %mul3A_44 : i32
    %add3A_46 = arith.constant 6 : i32
    %add3A_47 = arith.addi %mul3A_45, %add3A_46 : i32
    %mul3A_48 = arith.constant 79 : i32
    %mul3A_49 = arith.muli %add3A_47, %mul3A_48 : i32
    "tpu.region"() ({
      %run_scoped3A = tpu.sem_alloc : memref<!tpu.dma_semaphore, #tpu.memory_space<semaphore_mem>>
      %dma_start3A = arith.constant 0 : i32
      %dma_start3A_67 = tpu.memref_slice %arg10[%mul3A_49, %dma_start3A] : memref<10112x128xf32, #tpu.memory_space<vmem_shared>> -> memref<79x128xf32, #tpu.memory_space<vmem_shared>>
      %dma_start3A_68 = arith.constant 0 : i32
      %dma_start3A_69 = tpu.memref_slice %arg10[%mul3A_49, %dma_start3A_68] : memref<10112x128xf32, #tpu.memory_space<vmem_shared>> -> memref<79x128xf32, #tpu.memory_space<vmem_shared>>
      tpu.enqueue_dma source(%arg9 : memref<79x128xf32, #tpu.memory_space<vmem>>) target(%dma_start3A_69 : memref<79x128xf32, #tpu.memory_space<vmem_shared>>) target_semaphore(%run_scoped3A : memref<!tpu.dma_semaphore, #tpu.memory_space<semaphore_mem>>)
      %dma_wait3A = arith.constant 0 : i32
      %dma_wait3A_70 = tpu.memref_slice %arg10[%mul3A_49, %dma_wait3A] : memref<10112x128xf32, #tpu.memory_space<vmem_shared>> -> memref<79x128xf32, #tpu.memory_space<vmem_shared>>
      %dma_wait3A_71 = arith.constant 0 : i32
      %dma_wait3A_72 = tpu.memref_slice %arg10[%mul3A_49, %dma_wait3A_71] : memref<10112x128xf32, #tpu.memory_space<vmem_shared>> -> memref<79x128xf32, #tpu.memory_space<vmem_shared>>
      tpu.wait_dma2 semaphore(%run_scoped3A : memref<!tpu.dma_semaphore, #tpu.memory_space<semaphore_mem>>) src(%arg9 : memref<79x128xf32, #tpu.memory_space<vmem>>) dst(%dma_wait3A_72 : memref<79x128xf32, #tpu.memory_space<vmem_shared>>)
      tpu.yield
    }) : () -> ()
    %mul3A_50 = arith.constant 8 : i32
    %mul3A_51 = arith.muli %arg1, %mul3A_50 : i32
    %add3A_52 = arith.constant 7 : i32
    %add3A_53 = arith.addi %mul3A_51, %add3A_52 : i32
    %mul3A_54 = arith.constant 79 : i32
    %mul3A_55 = arith.muli %add3A_53, %mul3A_54 : i32
    "tpu.region"() ({
      %run_scoped3A = tpu.sem_alloc : memref<!tpu.dma_semaphore, #tpu.memory_space<semaphore_mem>>
      %dma_start3A = arith.constant 0 : i32
      %dma_start3A_67 = tpu.memref_slice %arg10[%mul3A_55, %dma_start3A] : memref<10112x128xf32, #tpu.memory_space<vmem_shared>> -> memref<79x128xf32, #tpu.memory_space<vmem_shared>>
      %dma_start3A_68 = arith.constant 0 : i32
      %dma_start3A_69 = tpu.memref_slice %arg10[%mul3A_55, %dma_start3A_68] : memref<10112x128xf32, #tpu.memory_space<vmem_shared>> -> memref<79x128xf32, #tpu.memory_space<vmem_shared>>
      tpu.enqueue_dma source(%arg9 : memref<79x128xf32, #tpu.memory_space<vmem>>) target(%dma_start3A_69 : memref<79x128xf32, #tpu.memory_space<vmem_shared>>) target_semaphore(%run_scoped3A : memref<!tpu.dma_semaphore, #tpu.memory_space<semaphore_mem>>)
      %dma_wait3A = arith.constant 0 : i32
      %dma_wait3A_70 = tpu.memref_slice %arg10[%mul3A_55, %dma_wait3A] : memref<10112x128xf32, #tpu.memory_space<vmem_shared>> -> memref<79x128xf32, #tpu.memory_space<vmem_shared>>
      %dma_wait3A_71 = arith.constant 0 : i32
      %dma_wait3A_72 = tpu.memref_slice %arg10[%mul3A_55, %dma_wait3A_71] : memref<10112x128xf32, #tpu.memory_space<vmem_shared>> -> memref<79x128xf32, #tpu.memory_space<vmem_shared>>
      tpu.wait_dma2 semaphore(%run_scoped3A : memref<!tpu.dma_semaphore, #tpu.memory_space<semaphore_mem>>) src(%arg9 : memref<79x128xf32, #tpu.memory_space<vmem>>) dst(%dma_wait3A_72 : memref<79x128xf32, #tpu.memory_space<vmem_shared>>)
      tpu.yield
    }) : () -> ()
    %barrier3A = arith.constant 0 : index
    tpu.barrier barrier_id(%barrier3A)
    %scan3A_56 = arith.constant 0 : i32
    %scan3A_57 = arith.constant 0 : i32
    %scan3A_58 = arith.constant 125 : i32
    %scan3A_59 = arith.addi %scan3A_57, %scan3A_58 : i32
    %scan3A_60 = arith.constant 1 : i32
    scf.for %scan3A_67 = %scan3A_57 to %scan3A_59 step %scan3A_60  : i32 {
      %mul3A_68 = arith.constant 80 : i32
      %mul3A_69 = arith.muli %scan3A_67, %mul3A_68 : i32
      %add3A_70 = arith.addi %mul3A_2, %mul3A_69 : i32
      "tpu.region"() ({
        %run_scoped3A = tpu.sem_alloc : memref<!tpu.dma_semaphore, #tpu.memory_space<semaphore_mem>>
        %dma_start3A_75 = tpu.memref_slice %arg2[%add3A_70] : memref<320000xi32, #tpu.memory_space<hbm>> -> memref<80xi32, #tpu.memory_space<hbm>>
        %dma_start3A_76 = tpu.memref_slice %arg2[%add3A_70] : memref<320000xi32, #tpu.memory_space<hbm>> -> memref<80xi32, #tpu.memory_space<hbm>>
        tpu.enqueue_dma source(%dma_start3A_76 : memref<80xi32, #tpu.memory_space<hbm>>) target(%arg6 : memref<80xi32, #tpu.memory_space<vmem>>) target_semaphore(%run_scoped3A : memref<!tpu.dma_semaphore, #tpu.memory_space<semaphore_mem>>)
        %dma_wait3A_77 = tpu.memref_slice %arg2[%add3A_70] : memref<320000xi32, #tpu.memory_space<hbm>> -> memref<80xi32, #tpu.memory_space<hbm>>
        %dma_wait3A_78 = tpu.memref_slice %arg2[%add3A_70] : memref<320000xi32, #tpu.memory_space<hbm>> -> memref<80xi32, #tpu.memory_space<hbm>>
        tpu.wait_dma2 semaphore(%run_scoped3A : memref<!tpu.dma_semaphore, #tpu.memory_space<semaphore_mem>>) src(%dma_wait3A_78 : memref<80xi32, #tpu.memory_space<hbm>>) dst(%arg6 : memref<80xi32, #tpu.memory_space<vmem>>)
        tpu.yield
      }) : () -> ()
      "tpu.region"() ({
        %run_scoped3A = tpu.sem_alloc : memref<!tpu.dma_semaphore, #tpu.memory_space<semaphore_mem>>
        %dma_start3A_75 = tpu.memref_slice %arg3[%add3A_70] : memref<320000xi32, #tpu.memory_space<hbm>> -> memref<80xi32, #tpu.memory_space<hbm>>
        %dma_start3A_76 = tpu.memref_slice %arg3[%add3A_70] : memref<320000xi32, #tpu.memory_space<hbm>> -> memref<80xi32, #tpu.memory_space<hbm>>
        tpu.enqueue_dma source(%dma_start3A_76 : memref<80xi32, #tpu.memory_space<hbm>>) target(%arg7 : memref<80xi32, #tpu.memory_space<vmem>>) target_semaphore(%run_scoped3A : memref<!tpu.dma_semaphore, #tpu.memory_space<semaphore_mem>>)
        %dma_wait3A_77 = tpu.memref_slice %arg3[%add3A_70] : memref<320000xi32, #tpu.memory_space<hbm>> -> memref<80xi32, #tpu.memory_space<hbm>>
        %dma_wait3A_78 = tpu.memref_slice %arg3[%add3A_70] : memref<320000xi32, #tpu.memory_space<hbm>> -> memref<80xi32, #tpu.memory_space<hbm>>
        tpu.wait_dma2 semaphore(%run_scoped3A : memref<!tpu.dma_semaphore, #tpu.memory_space<semaphore_mem>>) src(%dma_wait3A_78 : memref<80xi32, #tpu.memory_space<hbm>>) dst(%arg7 : memref<80xi32, #tpu.memory_space<vmem>>)
        tpu.yield
      }) : () -> ()
      %dma_start3A = arith.constant 0 : i32
      %dma_start3A_71 = arith.constant 0 : i32
      %dma_start3A_72 = tpu.memref_slice %arg4[%dma_start3A, %dma_start3A_71] : memref<10000x128xf32, #tpu.memory_space<hbm>> -> memref<10000x128xf32, #tpu.memory_space<hbm>>
      tpu.enqueue_indirect_dma source(%dma_start3A_72 : memref<10000x128xf32, #tpu.memory_space<hbm>>) target(%arg8 : memref<80x128xf32, #tpu.memory_space<vmem>>) offsets(%arg6 : memref<80xi32, #tpu.memory_space<vmem>>) semaphore(%arg11 : memref<!tpu.dma_semaphore, #tpu.memory_space<semaphore_mem>>)
      %dma_wait3A = arith.constant 0 : i32
      %dma_wait3A_73 = arith.constant 0 : i32
      %dma_wait3A_74 = tpu.memref_slice %arg4[%dma_wait3A, %dma_wait3A_73] : memref<10000x128xf32, #tpu.memory_space<hbm>> -> memref<10000x128xf32, #tpu.memory_space<hbm>>
      tpu.wait_indirect_dma semaphore(%arg11 : memref<!tpu.dma_semaphore, #tpu.memory_space<semaphore_mem>>) src(%dma_wait3A_74 : memref<10000x128xf32, #tpu.memory_space<hbm>>) dst(%arg8 : memref<80x128xf32, #tpu.memory_space<vmem>>)
      "tpu.region"() ({
        %run_scoped3A = tpu.sem_alloc : memref<!tpu.dma_semaphore, #tpu.memory_space<semaphore_mem>>
        %dma_start3A_75 = arith.constant 0 : i32
        %dma_start3A_76 = arith.constant 0 : i32
        %dma_start3A_77 = tpu.memref_slice %arg10[%dma_start3A_75, %dma_start3A_76] : memref<10112x128xf32, #tpu.memory_space<vmem_shared>> -> memref<10112x128xf32, #tpu.memory_space<vmem_shared>>
        tpu.enqueue_indirect_dma source(%arg8 : memref<80x128xf32, #tpu.memory_space<vmem>>) target(%dma_start3A_77 : memref<10112x128xf32, #tpu.memory_space<vmem_shared>>) offsets(%arg7 : memref<80xi32, #tpu.memory_space<vmem>>) semaphore(%run_scoped3A : memref<!tpu.dma_semaphore, #tpu.memory_space<semaphore_mem>>) {add = true}
        %dma_wait3A_78 = arith.constant 0 : i32
        %dma_wait3A_79 = arith.constant 0 : i32
        %dma_wait3A_80 = tpu.memref_slice %arg10[%dma_wait3A_78, %dma_wait3A_79] : memref<10112x128xf32, #tpu.memory_space<vmem_shared>> -> memref<10112x128xf32, #tpu.memory_space<vmem_shared>>
        tpu.wait_indirect_dma semaphore(%run_scoped3A : memref<!tpu.dma_semaphore, #tpu.memory_space<semaphore_mem>>) src(%arg8 : memref<80x128xf32, #tpu.memory_space<vmem>>) dst(%dma_wait3A_80 : memref<10112x128xf32, #tpu.memory_space<vmem_shared>>)
        tpu.yield
      }) : () -> ()
    }
    %scan3A_61 = arith.constant 125 : i32
    %barrier3A_62 = arith.constant 0 : index
    tpu.barrier barrier_id(%barrier3A_62)
    %mul3A_63 = arith.constant 632 : i32
    %mul3A_64 = arith.muli %arg1, %mul3A_63 : i32
    %mul3A_65 = arith.constant 632 : i32
    %mul3A_66 = arith.muli %arg1, %mul3A_65 : i32
    "tpu.region"() ({
      %run_scoped3A = tpu.sem_alloc : memref<!tpu.dma_semaphore, #tpu.memory_space<semaphore_mem>>
      %dma_start3A = arith.constant 0 : i32
      %dma_start3A_67 = tpu.memref_slice %arg5[%arg0, %mul3A_66, %dma_start3A] : memref<2x10112x128xf32, #tpu.memory_space<hbm>> -> memref<1x632x128xf32, #tpu.memory_space<hbm>>
      %dma_start3A_68 = tpu.memref_squeeze %dma_start3A_67 : memref<1x632x128xf32, #tpu.memory_space<hbm>> -> memref<632x128xf32, #tpu.memory_space<hbm>>
      %dma_start3A_69 = arith.constant 0 : i32
      %dma_start3A_70 = tpu.memref_slice %arg10[%mul3A_64, %dma_start3A_69] : memref<10112x128xf32, #tpu.memory_space<vmem_shared>> -> memref<632x128xf32, #tpu.memory_space<vmem_shared>>
      tpu.enqueue_dma source(%dma_start3A_70 : memref<632x128xf32, #tpu.memory_space<vmem_shared>>) target(%dma_start3A_68 : memref<632x128xf32, #tpu.memory_space<hbm>>) target_semaphore(%run_scoped3A : memref<!tpu.dma_semaphore, #tpu.memory_space<semaphore_mem>>)
      %dma_wait3A = arith.constant 0 : i32
      %dma_wait3A_71 = tpu.memref_slice %arg5[%arg0, %mul3A_66, %dma_wait3A] : memref<2x10112x128xf32, #tpu.memory_space<hbm>> -> memref<1x632x128xf32, #tpu.memory_space<hbm>>
      %dma_wait3A_72 = tpu.memref_squeeze %dma_wait3A_71 : memref<1x632x128xf32, #tpu.memory_space<hbm>> -> memref<632x128xf32, #tpu.memory_space<hbm>>
      %dma_wait3A_73 = arith.constant 0 : i32
      %dma_wait3A_74 = tpu.memref_slice %arg10[%mul3A_64, %dma_wait3A_73] : memref<10112x128xf32, #tpu.memory_space<vmem_shared>> -> memref<632x128xf32, #tpu.memory_space<vmem_shared>>
      tpu.wait_dma2 semaphore(%run_scoped3A : memref<!tpu.dma_semaphore, #tpu.memory_space<semaphore_mem>>) src(%dma_wait3A_74 : memref<632x128xf32, #tpu.memory_space<vmem_shared>>) dst(%dma_wait3A_72 : memref<632x128xf32, #tpu.memory_space<hbm>>)
      tpu.yield
    }) : () -> ()
    return
  }
}

module attributes {stable_mosaic.version = 14 : i64} {
  func.func @_tc_dis_body(%arg0: memref<32x10112xf32, #tpu.memory_space<vmem>>, %arg1: memref<10112xf32, #tpu.memory_space<vmem>>) attributes {dimension_semantics = [], scalar_prefetch = 0 : i64, scratch_operands = 0 : i64, tpu.core_type = #tpu.core_type<tc>} {
    %get3A = arith.constant 0 : index
    %get3A_0 = arith.constant 0 : index
    %get3A_1 = vector.load %arg0[%get3A, %get3A_0] : memref<32x10112xf32, #tpu.memory_space<vmem>>, vector<32x10112xf32>
    %reduce_sum3A = arith.constant dense<0.000000e+00> : vector<10112xf32>
    %reduce_sum3A_2 = vector.multi_reduction <add>, %get3A_1, %reduce_sum3A [0] : vector<32x10112xf32> to vector<10112xf32>
    %add3A = arith.constant 1.000000e+00 : f32
    %add3A_3 = vector.broadcast %add3A : f32 to vector<10112xf32>
    %add3A_4 = arith.addf %reduce_sum3A_2, %add3A_3 : vector<10112xf32>
    %rsqrt3A = math.rsqrt %add3A_4 : vector<10112xf32>
    %swap3A = arith.constant 0 : index
    %swap3A_5 = vector.load %arg1[%swap3A] : memref<10112xf32, #tpu.memory_space<vmem>>, vector<10112xf32>
    tpu.vector_store %arg1[%swap3A], %rsqrt3A {strides = array<i32>} : memref<10112xf32, #tpu.memory_space<vmem>>, vector<10112xf32>,
    return
  }
}

module attributes {stable_mosaic.version = 14 : i64} {
  func.func @_tc_h1p_body(%arg0: i32, %arg1: memref<2000x128xf32, #tpu.memory_space<vmem>>, %arg2: memref<128x128xf32, #tpu.memory_space<vmem>>, %arg3: memref<2000x1xf32, #tpu.memory_space<vmem>>, %arg4: memref<2000x128xf32, #tpu.memory_space<vmem>>) attributes {dimension_semantics = [#tpu.dimension_semantics<arbitrary>], iteration_bounds = array<i64: 5>, scalar_prefetch = 0 : i64, scratch_operands = 0 : i64, tpu.core_type = #tpu.core_type<tc>, window_params = [{transform_indices = @transform_0, window_bounds = array<i64: 2000, 128>}, {pipeline_mode = #tpu.pipeline_mode<synchronous>, transform_indices = @transform_1, window_bounds = array<i64: 128, 128>}, {transform_indices = @transform_2, window_bounds = array<i64: 2000, 1>}, {transform_indices = @transform_3, window_bounds = array<i64: 2000, 128>}]} {
    %get3A = arith.constant 0 : index
    %get3A_0 = arith.constant 0 : index
    %get3A_1 = vector.load %arg1[%get3A, %get3A_0] : memref<2000x128xf32, #tpu.memory_space<vmem>>, vector<2000x128xf32>
    %get3A_2 = arith.constant 0 : index
    %get3A_3 = arith.constant 0 : index
    %get3A_4 = vector.load %arg2[%get3A_2, %get3A_3] : memref<128x128xf32, #tpu.memory_space<vmem>>, vector<128x128xf32>
    %dot_general3A = arith.constant dense<0.000000e+00> : vector<2000x128xf32>
    %dot_general3A_5 = tpu.matmul %get3A_1, %get3A_4, %dot_general3A {dimension_numbers = #tpu.dot_dimension_numbers<[1], [0], [0], [1], [0, 0, 1, 1], [], []>, transpose_lhs_hint = false} : vector<2000x128xf32>, vector<128x128xf32>, vector<2000x128xf32> -> vector<2000x128xf32>
    %get3A_6 = arith.constant 0 : index
    %get3A_7 = arith.constant 0 : index
    %get3A_8 = vector.load %arg3[%get3A_6, %get3A_7] : memref<2000x1xf32, #tpu.memory_space<vmem>>, vector<2000x1xf32>
    %mul3A = vector.broadcast %get3A_8 : vector<2000x1xf32> to vector<2000x128xf32>
    %mul3A_9 = arith.mulf %dot_general3A_5, %mul3A : vector<2000x128xf32>
    %swap3A = arith.constant 0 : index
    %swap3A_10 = arith.constant 0 : index
    %swap3A_11 = vector.load %arg4[%swap3A, %swap3A_10] : memref<2000x128xf32, #tpu.memory_space<vmem>>, vector<2000x128xf32>
    tpu.vector_store %arg4[%swap3A, %swap3A_10], %mul3A_9 {strides = array<i32>} : memref<2000x128xf32, #tpu.memory_space<vmem>>, vector<2000x128xf32>,
    return
  }
  func.func @transform_0(%arg0: i32) -> (i32, i32) {
    %c0_i32 = arith.constant 0 : i32
    %c0_i32_0 = arith.constant 0 : i32
    return %arg0, %c0_i32 : i32, i32
  }
  func.func @transform_1(%arg0: i32) -> (i32, i32) {
    %c0_i32 = arith.constant 0 : i32
    %c0_i32_0 = arith.constant 0 : i32
    %c0_i32_1 = arith.constant 0 : i32
    return %c0_i32, %c0_i32_0 : i32, i32
  }
  func.func @transform_2(%arg0: i32) -> (i32, i32) {
    %c0_i32 = arith.constant 0 : i32
    %c0_i32_0 = arith.constant 0 : i32
    return %arg0, %c0_i32 : i32, i32
  }
  func.func @transform_3(%arg0: i32) -> (i32, i32) {
    %c0_i32 = arith.constant 0 : i32
    %c0_i32_0 = arith.constant 0 : i32
    return %arg0, %c0_i32 : i32, i32
  }
}

module attributes {stable_mosaic.version = 14 : i64} {
  func.func @_tc_u_body(%arg0: i32, %arg1: memref<2x2000x128xf32, #tpu.memory_space<vmem>>, %arg2: memref<2000x128xf32, #tpu.memory_space<vmem>>, %arg3: memref<2000x1xf32, #tpu.memory_space<vmem>>, %arg4: memref<1x128xf32, #tpu.memory_space<vmem>>, %arg5: memref<2000x128xf32, #tpu.memory_space<vmem>>) attributes {dimension_semantics = [#tpu.dimension_semantics<arbitrary>], iteration_bounds = array<i64: 5>, scalar_prefetch = 0 : i64, scratch_operands = 0 : i64, tpu.core_type = #tpu.core_type<tc>, window_params = [{transform_indices = @transform_0, window_bounds = array<i64: 2, 2000, 128>}, {transform_indices = @transform_1, window_bounds = array<i64: 2000, 128>}, {transform_indices = @transform_2, window_bounds = array<i64: 2000, 1>}, {pipeline_mode = #tpu.pipeline_mode<synchronous>, transform_indices = @transform_3, window_bounds = array<i64: 1, 128>}, {transform_indices = @transform_4, window_bounds = array<i64: 2000, 128>}]} {
    %get3A = arith.constant 0 : index
    %get3A_0 = arith.constant 0 : index
    %get3A_1 = vector.load %arg3[%get3A, %get3A_0] : memref<2000x1xf32, #tpu.memory_space<vmem>>, vector<2000x1xf32>
    %get3A_2 = arith.constant 0 : index
    %get3A_3 = arith.constant 0 : index
    %get3A_4 = arith.constant 0 : index
    %get3A_5 = vector.load %arg1[%get3A_2, %get3A_3, %get3A_4] : memref<2x2000x128xf32, #tpu.memory_space<vmem>>, vector<1x2000x128xf32>
    %get3A_6 = vector.shape_cast %get3A_5 : vector<1x2000x128xf32> to vector<2000x128xf32>
    %get3A_7 = arith.constant 1 : index
    %get3A_8 = arith.constant 0 : index
    %get3A_9 = arith.constant 0 : index
    %get3A_10 = vector.load %arg1[%get3A_7, %get3A_8, %get3A_9] : memref<2x2000x128xf32, #tpu.memory_space<vmem>>, vector<1x2000x128xf32>
    %get3A_11 = vector.shape_cast %get3A_10 : vector<1x2000x128xf32> to vector<2000x128xf32>
    %add3A = arith.addf %get3A_6, %get3A_11 : vector<2000x128xf32>
    %get3A_12 = arith.constant 0 : index
    %get3A_13 = arith.constant 0 : index
    %get3A_14 = vector.load %arg2[%get3A_12, %get3A_13] : memref<2000x128xf32, #tpu.memory_space<vmem>>, vector<2000x128xf32>
    %add3A_15 = arith.addf %add3A, %get3A_14 : vector<2000x128xf32>
    %mul3A = vector.broadcast %get3A_1 : vector<2000x1xf32> to vector<2000x128xf32>
    %mul3A_16 = arith.mulf %mul3A, %add3A_15 : vector<2000x128xf32>
    %get3A_17 = arith.constant 0 : index
    %get3A_18 = arith.constant 0 : index
    %get3A_19 = vector.load %arg4[%get3A_17, %get3A_18] : memref<1x128xf32, #tpu.memory_space<vmem>>, vector<1x128xf32>
    %add3A_20 = vector.broadcast %get3A_19 : vector<1x128xf32> to vector<2000x128xf32>
    %add3A_21 = arith.addf %mul3A_16, %add3A_20 : vector<2000x128xf32>
    %max3A = arith.constant 0.000000e+00 : f32
    %max3A_22 = vector.broadcast %max3A : f32 to vector<2000x128xf32>
    %max3A_23 = arith.maximumf %add3A_21, %max3A_22 : vector<2000x128xf32>
    %mul3A_24 = vector.broadcast %get3A_1 : vector<2000x1xf32> to vector<2000x128xf32>
    %mul3A_25 = arith.mulf %max3A_23, %mul3A_24 : vector<2000x128xf32>
    %swap3A = arith.constant 0 : index
    %swap3A_26 = arith.constant 0 : index
    %swap3A_27 = vector.load %arg5[%swap3A, %swap3A_26] : memref<2000x128xf32, #tpu.memory_space<vmem>>, vector<2000x128xf32>
    tpu.vector_store %arg5[%swap3A, %swap3A_26], %mul3A_25 {strides = array<i32>} : memref<2000x128xf32, #tpu.memory_space<vmem>>, vector<2000x128xf32>,
    return
  }
  func.func @transform_0(%arg0: i32) -> (i32, i32, i32) {
    %c0_i32 = arith.constant 0 : i32
    %c0_i32_0 = arith.constant 0 : i32
    %c0_i32_1 = arith.constant 0 : i32
    return %c0_i32, %arg0, %c0_i32_0 : i32, i32, i32
  }
  func.func @transform_1(%arg0: i32) -> (i32, i32) {
    %c0_i32 = arith.constant 0 : i32
    %c0_i32_0 = arith.constant 0 : i32
    return %arg0, %c0_i32 : i32, i32
  }
  func.func @transform_2(%arg0: i32) -> (i32, i32) {
    %c0_i32 = arith.constant 0 : i32
    %c0_i32_0 = arith.constant 0 : i32
    return %arg0, %c0_i32 : i32, i32
  }
  func.func @transform_3(%arg0: i32) -> (i32, i32) {
    %c0_i32 = arith.constant 0 : i32
    %c0_i32_0 = arith.constant 0 : i32
    %c0_i32_1 = arith.constant 0 : i32
    return %c0_i32, %c0_i32_0 : i32, i32
  }
  func.func @transform_4(%arg0: i32) -> (i32, i32) {
    %c0_i32 = arith.constant 0 : i32
    %c0_i32_0 = arith.constant 0 : i32
    return %arg0, %c0_i32 : i32, i32
  }
}

module attributes {stable_mosaic.version = 14 : i64} {
  func.func @_tc_out_body(%arg0: i32, %arg1: memref<2x2000x128xf32, #tpu.memory_space<vmem>>, %arg2: memref<2000x128xf32, #tpu.memory_space<vmem>>, %arg3: memref<2000x1xf32, #tpu.memory_space<vmem>>, %arg4: memref<128x64xf32, #tpu.memory_space<vmem>>, %arg5: memref<1x64xf32, #tpu.memory_space<vmem>>, %arg6: memref<2000x64xf32, #tpu.memory_space<vmem>>) attributes {dimension_semantics = [#tpu.dimension_semantics<arbitrary>], iteration_bounds = array<i64: 5>, scalar_prefetch = 0 : i64, scratch_operands = 0 : i64, tpu.core_type = #tpu.core_type<tc>, window_params = [{transform_indices = @transform_0, window_bounds = array<i64: 2, 2000, 128>}, {transform_indices = @transform_1, window_bounds = array<i64: 2000, 128>}, {transform_indices = @transform_2, window_bounds = array<i64: 2000, 1>}, {pipeline_mode = #tpu.pipeline_mode<synchronous>, transform_indices = @transform_3, window_bounds = array<i64: 128, 64>}, {pipeline_mode = #tpu.pipeline_mode<synchronous>, transform_indices = @transform_4, window_bounds = array<i64: 1, 64>}, {transform_indices = @transform_5, window_bounds = array<i64: 2000, 64>}]} {
    %get3A = arith.constant 0 : index
    %get3A_0 = arith.constant 0 : index
    %get3A_1 = vector.load %arg3[%get3A, %get3A_0] : memref<2000x1xf32, #tpu.memory_space<vmem>>, vector<2000x1xf32>
    %get3A_2 = arith.constant 0 : index
    %get3A_3 = arith.constant 0 : index
    %get3A_4 = arith.constant 0 : index
    %get3A_5 = vector.load %arg1[%get3A_2, %get3A_3, %get3A_4] : memref<2x2000x128xf32, #tpu.memory_space<vmem>>, vector<1x2000x128xf32>
    %get3A_6 = vector.shape_cast %get3A_5 : vector<1x2000x128xf32> to vector<2000x128xf32>
    %get3A_7 = arith.constant 1 : index
    %get3A_8 = arith.constant 0 : index
    %get3A_9 = arith.constant 0 : index
    %get3A_10 = vector.load %arg1[%get3A_7, %get3A_8, %get3A_9] : memref<2x2000x128xf32, #tpu.memory_space<vmem>>, vector<1x2000x128xf32>
    %get3A_11 = vector.shape_cast %get3A_10 : vector<1x2000x128xf32> to vector<2000x128xf32>
    %add3A = arith.addf %get3A_6, %get3A_11 : vector<2000x128xf32>
    %get3A_12 = arith.constant 0 : index
    %get3A_13 = arith.constant 0 : index
    %get3A_14 = vector.load %arg2[%get3A_12, %get3A_13] : memref<2000x128xf32, #tpu.memory_space<vmem>>, vector<2000x128xf32>
    %add3A_15 = arith.addf %add3A, %get3A_14 : vector<2000x128xf32>
    %mul3A = vector.broadcast %get3A_1 : vector<2000x1xf32> to vector<2000x128xf32>
    %mul3A_16 = arith.mulf %mul3A, %add3A_15 : vector<2000x128xf32>
    %get3A_17 = arith.constant 0 : index
    %get3A_18 = arith.constant 0 : index
    %get3A_19 = vector.load %arg4[%get3A_17, %get3A_18] : memref<128x64xf32, #tpu.memory_space<vmem>>, vector<128x64xf32>
    %dot_general3A = arith.constant dense<0.000000e+00> : vector<2000x64xf32>
    %dot_general3A_20 = tpu.matmul %mul3A_16, %get3A_19, %dot_general3A {dimension_numbers = #tpu.dot_dimension_numbers<[1], [0], [0], [1], [0, 0, 1, 1], [], []>, transpose_lhs_hint = false} : vector<2000x128xf32>, vector<128x64xf32>, vector<2000x64xf32> -> vector<2000x64xf32>
    %get3A_21 = arith.constant 0 : index
    %get3A_22 = arith.constant 0 : index
    %get3A_23 = vector.load %arg5[%get3A_21, %get3A_22] : memref<1x64xf32, #tpu.memory_space<vmem>>, vector<1x64xf32>
    %add3A_24 = vector.broadcast %get3A_23 : vector<1x64xf32> to vector<2000x64xf32>
    %add3A_25 = arith.addf %dot_general3A_20, %add3A_24 : vector<2000x64xf32>
    %reduce_max3A = arith.constant dense<0xFF800000> : vector<2000xf32>
    %reduce_max3A_26 = vector.multi_reduction <maximumf>, %add3A_25, %reduce_max3A [1] : vector<2000x64xf32> to vector<2000xf32>
    %broadcast_in_dim3A = vector.shape_cast %reduce_max3A_26 : vector<2000xf32> to vector<2000x1xf32>
    %sub3A = vector.broadcast %broadcast_in_dim3A : vector<2000x1xf32> to vector<2000x64xf32>
    %sub3A_27 = arith.subf %add3A_25, %sub3A : vector<2000x64xf32>
    %exp3A = math.exp %sub3A_27 : vector<2000x64xf32>
    %reduce_sum3A = arith.constant dense<0.000000e+00> : vector<2000xf32>
    %reduce_sum3A_28 = vector.multi_reduction <add>, %exp3A, %reduce_sum3A [1] : vector<2000x64xf32> to vector<2000xf32>
    %broadcast_in_dim3A_29 = vector.shape_cast %reduce_sum3A_28 : vector<2000xf32> to vector<2000x1xf32>
    %log3A = math.log %broadcast_in_dim3A_29 : vector<2000x1xf32>
    %sub3A_30 = vector.broadcast %log3A : vector<2000x1xf32> to vector<2000x64xf32>
    %sub3A_31 = arith.subf %sub3A_27, %sub3A_30 : vector<2000x64xf32>
    %swap3A = arith.constant 0 : index
    %swap3A_32 = arith.constant 0 : index
    %swap3A_33 = vector.load %arg6[%swap3A, %swap3A_32] : memref<2000x64xf32, #tpu.memory_space<vmem>>, vector<2000x64xf32>
    tpu.vector_store %arg6[%swap3A, %swap3A_32], %sub3A_31 {strides = array<i32>} : memref<2000x64xf32, #tpu.memory_space<vmem>>, vector<2000x64xf32>,
    return
  }
  func.func @transform_0(%arg0: i32) -> (i32, i32, i32) {
    %c0_i32 = arith.constant 0 : i32
    %c0_i32_0 = arith.constant 0 : i32
    %c0_i32_1 = arith.constant 0 : i32
    return %c0_i32, %arg0, %c0_i32_0 : i32, i32, i32
  }
  func.func @transform_1(%arg0: i32) -> (i32, i32) {
    %c0_i32 = arith.constant 0 : i32
    %c0_i32_0 = arith.constant 0 : i32
    return %arg0, %c0_i32 : i32, i32
  }
  func.func @transform_2(%arg0: i32) -> (i32, i32) {
    %c0_i32 = arith.constant 0 : i32
    %c0_i32_0 = arith.constant 0 : i32
    return %arg0, %c0_i32 : i32, i32
  }
  func.func @transform_3(%arg0: i32) -> (i32, i32) {
    %c0_i32 = arith.constant 0 : i32
    %c0_i32_0 = arith.constant 0 : i32
    %c0_i32_1 = arith.constant 0 : i32
    return %c0_i32, %c0_i32_0 : i32, i32
  }
  func.func @transform_4(%arg0: i32) -> (i32, i32) {
    %c0_i32 = arith.constant 0 : i32
    %c0_i32_0 = arith.constant 0 : i32
    %c0_i32_1 = arith.constant 0 : i32
    return %c0_i32, %c0_i32_0 : i32, i32
  }
  func.func @transform_5(%arg0: i32) -> (i32, i32) {
    %c0_i32 = arith.constant 0 : i32
    %c0_i32_0 = arith.constant 0 : i32
    return %arg0, %c0_i32 : i32, i32
  }
}

</mosaic_0001>

<sc_bundles>
// kernel: kernel.12.cloned.1.call-start
scs
__scs_entry_jumppad:
0x0: {  	(pc) =	sbr.rel $0x88, $3  }
0x1: {  	(tag) =	ssettag $0x0;
	lr =	simm.s32 $0x1  }
0x2: {  	[smem:$0x3F9B] =	sst lr;
	_ =	strace $0xD0000000  }
0x3: {  	_ = 	snop  }
0x4: {  	_ = 	snop  }
0x5: {  	_ = 	snop  }
0x6: {  	_ = 	snop  }
0x7: {  	_ = 	snop  }
__scs_overlays_trampoline_lowered:
0x8: {  	[smem:$0x3FAA] =	sst s0  }
0x9: {  	[smem:$0x3FAB] =	sst s1  }
0xa: {  	[smem:$0x3FAC] =	sst s2  }
0xb: {  	[smem:$0x3FAD] =	sst s3  }
0xc: {  	[smem:$0x3FAE] =	sst s4  }
0xd: {  	[smem:$0x3FAF] =	sst s5  }
0xe: {  	[smem:$0x3FB0] =	sst s6  }
0xf: {  	[smem:$0x3FB1] =	sst s7  }
0x10: {  	[smem:$0x3FB2] =	sst s8  }
0x11: {  	[smem:$0x3FB3] =	sst s9;
	s0 =	simm.s32 @!p0 $0x0  }
0x12: {  	s1 =	sld [smem:$0x3F99];
	s0 =	simm.s32 @p0 $0x1  }
0x13: {  	[smem:$0x3FB4] =	sst s0;
	s0 =	simm.s32 @!p1 $0x0  }
0x14: {  	s2 =	sld [smem:$0x3F98];
	s0 =	simm.s32 @p1 $0x1  }
0x15: {  	[smem:$0x3FB5] =	sst s0;
	s0 =	simm.s32 @!p2 $0x0  }
0x16: {  	s3 =	sld [smem:$0x3FDB];
	s0 =	simm.s32 @p2 $0x1  }
0x17: {  	s4 =	simm.s32 $0x1BF5;
	[smem:$0x3FB7] =	sst s0  }
0x18: {  	s0 =	sld [smem:$0x3F9A];
	_ =	swait.ge [sflag:s4], $0x0  }
0x19: {  	s7 =	sld [smem:$0x3F9B]  }
0x1a: {  	s8 =	sadd.s32 $0xFFFFE003, lr  }
0x1b: {  	s9 =	sadd.s32 $0xFFFFFEF7, lr;
	s5 =	simm.s32 $0xFFFFFFFF;
	p2 =	slt.u32 s8, $0xFFFFF086  }
0x1c: {  	p1 =	slt.u32 s9, $0xF7A;
	s5 =	simm.s32 @!p2 $0x0  }
0x1d: {  	s5 =	simm.s32 @p1 $0x1;
	p0 =	seq.s32 s7, s2  }
0x1e: {  	s7 =	smul.u32 @!p0 $0xF7A, s2;
	p2 =	seq.s32 @!p0 s5, $0x0  }
0x1f: {  	s9 =	smul.u32 $0xF7A, s1;
	s8 =	simm.s32 @!p0 $0x1BF5;
	p2 =	por !p2, p0  }
0x20: {  	[sflag:s8] =	ssyncset.s32 @!p0 $0xFFFFF086;
	s6 =	sadd.s32 @!p0 s3, s7;
	s7 =	simm.s32 @!p0 $0x108  }
0x21: {  	s3 =	sadd.s32 s3, s9;
	s6 =	sadd.s32 @!p0 $0x88, s6;
	s7 =	simm.s32 @p2 $0x1082  }
0x22: {  	[simem:s7], [sflag:s8] =	dma.local @!p0 [hbm:s6], $0xF7A  }
0x23: {  	s9 =	sor.u32 $0xD0000000, s2;
	s6 =	simm.s32 $0x108;
	_ =	swait.ge @!p0 [sflag:s8], $0x0  }
0x24: {  	s3 =	sadd.s32 $0x88, s3;
	s6 =	simm.s32 @!p1 $0x1082;
	[sflag:s4] =	ssyncset.s32 $0xFFFFF086  }
0x25: {  	[simem:s6], [sflag:s4] =	dma.local [hbm:s3], $0xF7A  }
0x26: {  	[smem:$0x3F9B] =	sst s1;
	(tag) =	ssettag s2;
	_ =	strace s9  }
0x27: {  	s1 =	sld [smem:$0x3FAB]  }
0x28: {  	s2 =	sld [smem:$0x3FAC]  }
0x29: {  	s4 =	sld [smem:$0x3FAE]  }
0x2a: {  	p0 =	seq.s32 s5, $0x0;
	s5 =	sld [smem:$0x3FAF]  }
0x2b: {  	s6 =	sld [smem:$0x3FB0]  }
0x2c: {  	s7 =	sld [smem:$0x3FB1]  }
0x2d: {  	s3 =	simm.s32 $0x108;
	s8 =	sld [smem:$0x3FB2]  }
0x2e: {  	s3 =	simm.s32 @!p0 $0x1082;
	s9 =	sld [smem:$0x3FB3]  }
0x2f: {  	lr =	sadd.s32 s0, s3;
	s0 =	sld [smem:$0x3FAA]  }
0x30: {  	s3 =	sld [smem:$0x3FAD]  }
0x31: {  	[smem:$0x3FB6] =	sst s10  }
0x32: {  	s10 =	sld [smem:$0x3FB4];
	_ =	sdelay $0x3  }
0x33: {  	p0 =	seq.s32 s10, $0x1;
	s10 =	sld [smem:$0x3FB6];
	_ =	sdelay $0x3  }
0x34: {  	[smem:$0x3FB6] =	sst s10  }
0x35: {  	s10 =	sld [smem:$0x3FB5];
	_ =	sdelay $0x3  }
0x36: {  	p1 =	seq.s32 s10, $0x1;
	s10 =	sld [smem:$0x3FB6];
	_ =	sdelay $0x3  }
0x37: {  	[smem:$0x3FB6] =	sst s10  }
0x38: {  	s10 =	sld [smem:$0x3FB7]  }
0x39: {  	_ = 	snop;
	(pc) =	sbr.ind lr, $3  }
0x3a: {  	_ = 	snop  }
0x3b: {  	_ = 	snop  }
0x3c: {  	p2 =	seq.s32 s10, $0x1;
	s10 =	sld [smem:$0x3FB6]  }
0x3d: {  	_ =	shalt  }
0x3e: {  	_ =	shalt  }
0x3f: {  	_ =	shalt  }
0x40: {  	_ =	shalt  }
0x41: {  	_ =	shalt  }
0x42: {  	_ =	shalt  }
0x43: {  	_ =	shalt  }
0x44: {  	_ =	shalt  }
0x45: {  	_ =	shalt  }
0x46: {  	_ =	shalt  }
0x47: {  	_ =	shalt  }
0x48: {  	_ =	shalt  }
0x49: {  	_ =	shalt  }
0x4a: {  	_ =	shalt  }
0x4b: {  	_ =	shalt  }
0x4c: {  	_ =	shalt  }
0x4d: {  	_ =	shalt  }
0x4e: {  	_ =	shalt  }
0x4f: {  	_ =	shalt  }
0x50: {  	_ =	shalt  }
0x51: {  	_ =	shalt  }
0x52: {  	_ =	shalt  }
0x53: {  	_ =	shalt  }
0x54: {  	_ =	shalt  }
0x55: {  	_ =	shalt  }
0x56: {  	_ =	shalt  }
0x57: {  	_ =	shalt  }
0x58: {  	_ =	shalt  }
0x59: {  	_ =	shalt  }
0x5a: {  	_ =	shalt  }
0x5b: {  	_ =	shalt  }
0x5c: {  	_ =	shalt  }
0x5d: {  	_ =	shalt  }
0x5e: {  	_ =	shalt  }
0x5f: {  	_ =	shalt  }
0x60: {  	_ =	shalt  }
0x61: {  	_ =	shalt  }
0x62: {  	_ =	shalt  }
0x63: {  	_ =	shalt  }
0x64: {  	_ =	shalt  }
0x65: {  	_ =	shalt  }
0x66: {  	_ =	shalt  }
0x67: {  	_ =	shalt  }
0x68: {  	_ =	shalt  }
0x69: {  	_ =	shalt  }
0x6a: {  	_ =	shalt  }
0x6b: {  	_ =	shalt  }
0x6c: {  	_ =	shalt  }
0x6d: {  	_ =	shalt  }
0x6e: {  	_ =	shalt  }
0x6f: {  	_ =	shalt  }
0x70: {  	_ =	shalt  }
0x71: {  	_ =	shalt  }
0x72: {  	_ =	shalt  }
0x73: {  	_ =	shalt  }
0x74: {  	_ =	shalt  }
0x75: {  	_ =	shalt  }
0x76: {  	_ =	shalt  }
0x77: {  	_ =	shalt  }
0x78: {  	_ =	shalt  }
0x79: {  	_ =	shalt  }
0x7a: {  	_ =	shalt  }
0x7b: {  	_ =	shalt  }
0x7c: {  	_ =	shalt  }
0x7d: {  	_ =	shalt  }
0x7e: {  	_ =	shalt  }
0x7f: {  	_ =	shalt  }
0x80: {  	_ =	shalt  }
0x81: {  	_ =	shalt  }
0x82: {  	_ =	shalt  }
0x83: {  	_ =	shalt  }
0x84: {  	_ =	shalt  }
0x85: {  	_ =	shalt  }
0x86: {  	_ =	shalt  }
0x87: {  	_ =	shalt  }
.Lfunc_end0:
.L_simem_size_0:
called_computation.1_lowered:
.L_overlay_start_0:
0x88: {  	s2 =	sld [smem:$0x3FD9]  }
0x89: {  	s3 =	sld [smem:$0x3FFE];
	_ =	sdelay $0x1  }
0x8a: {  	s1 =	srdreg.scid  }
0x8b: {  	s0 =	sand.u32 $0x1, s1  }
0x8c: {  	s16 =	sshll.u32 s0, $0xA;
	s2 =	sadd.s32 s3, s2  }
0x8d: {  	s2 =	sadd.s32 s2, s16  }
0x8e: {  	[smem:$0x3FC2] =	sst s2  }
0x8f: {  	_ = 	snop  }
0x90: {  	(tm) =	ssettm $0x1  }
0x91: {  	s17 =	sld [smem:$0x3FFB];
	_ =	sdelay $0x3  }
0x92: {  	_ =	strace s17  }
0x93: {  	s2 =	sld [smem:$0x3FFC];
	_ =	sdelay $0x3  }
0x94: {  	_ =	strace s2  }
0x95: {  	s2 =	sld [smem:$0x3FFD];
	_ =	sdelay $0x3  }
0x96: {  	_ =	strace s2  }
0x97: {  	_ =	strace $0x8FFFFFFF  }
0x98: {  	s18 =	sld [smem:$0x3FDB];
	_ =	sdelay $0x1  }
0x99: {  	s19 =	simm.s32 $_scs_section_size  }
0x9a: {  	s4 =	simm.s32 $_size__tile_overlayer_lowered;
	s5 =	simm.s32 $_tile_overlayer_lowered  }
0x9b: {  	s22 =	simm.s32 $0x1BFF;
	s21 =	sshll.u32 s5, $0x1;
	s2 =	sadd.s32 s19, s18  }
0x9c: {  	s6 =	simm.s32 $0x0;
	s20 =	sshll.u32 s4, $0x1;
	s4 =	sadd.s32 s21, s2  }
0x9d: {  	[timem:s6], [sflag:s22] =	dma.local [hbm:s4], s20  }
0x9e: {  	_ =	swait.ge [sflag:s22], s20  }
0x9f: {  	s3 =	ssub.s32 $0x0, s20;
	[sflag:s22] =	ssyncset.done $0x0  }
0xa0: {  	[sflag:s22] =	ssyncadd.s32 s3;
	_ =	sdelay $0x1  }
0xa1: {  	s23 =	simm.s32 $0x1B8B  }
0xa2: {  	_ =	swait.ge [sflag:s23], $0x1  }
0xa3: {  	[sflag:s23] =	ssyncset.done $0x0  }
0xa4: {  	s25 =	simm.s32 $0x1B8E;
	s24 =	sld [smem:$0x3FFE];
	[sflag:s23] =	ssyncadd.s32 $0xFFFFFFFF  }
0xa5: {  	s26 =	simm.s32 $execute0_lowered;
	[smem:$0x3FD2] =	sst s25  }
0xa6: {  	s4 =	sshll.u32 s26, $0x1;
	_ =	strace $0x80000049;
	[dreg:$0x1] =	wrdreg $0xFFFFFFFF  }
0xa7: {  	s28 =	simm.s32 $_size_execute0_lowered;
	s2 =	sadd.s32 s2, s4;
	[dreg:$0x0] =	wrdreg $0x0  }
0xa8: {  	s4 =	sshll.u32 s28, $0x1;
	[dreg:$0x2] =	wrdreg s2  }
0xa9: {  	[dreg:$0x3] =	wrdreg s4  }
0xaa: {  	[dreg:$0x4] =	wrdreg $0xC0  }
0xab: {  	_ =	task [dreg:s6], $0x5FFFF  }
0xac: {  	[dreg:$0x1] =	wrdreg $0xFFFFFFFF  }
0xad: {  	[dreg:$0x0] =	wrdreg $0x60  }
0xae: {  	[dreg:$0x2] =	wrdreg s24  }
0xaf: {  	[dreg:$0x3] =	wrdreg $0x51000  }
0xb0: {  	[dreg:$0x4] =	wrdreg $0x9  }
0xb1: {  	_ =	task.clear_ibuf [dreg:s6], $0x5FFFF;
	_ =	strace $0x90000049  }
0xb2: {  	s29 =	simm.s32 $0x9;
	_ =	strace $0x8000004B  }
0xb3: {  	_ =	swait.ge [sflag:s29], $0x1  }
0xb4: {  	[sflag:s29] =	ssyncadd.s32 $0xFFFFFFFF  }
0xb5: {  	_ =	strace $0x9000004B  }
0xb6: {  	_ =	sfence  }
0xb7: {  	s30 =	sld [smem:$0x0];
	_ =	sdelay $0x2  }
0xb8: {  	s31 =	sshll.u32 s1, $0xD;
	s1 =	sshrl.u32 s1, $0x2  }
0xb9: {  	s3 =	sand.u32 $0x4000, s31;
	s1 =	sadd.s32 s1, s30  }
0xba: {  	s0 =	sor.u32 s3, s0;
	s1 =	sshll.u32 s1, $0x11  }
0xbb: {  	s0 =	sor.u32 s1, s0  }
0xbc: {  	s0 =	sadd.s32 $0x8F2B, s0  }
0xbd: {  	[sflag:s0] =	ssyncadd.remote.s32 $0x1  }
0xbe: {  	_ =	sfence.sel $0xFFFF  }
0xbf: {  	[dreg:$0x0] =	wrdreg $0xFFFFFFFF;
	(pc) =	sbr.abs _section_cstart, $3  }
0xc0: {  	[dreg:$0x1] =	wrdreg $0xFFFFFFFF  }
0xc1: {  	_ =	task.clear_ibuf [dreg:s6], $0x2FFFF;
	_ =	strace $0x9FFFFFFF  }
0xc2: {  	(tm) =	ssettm $0x7FFFFFFF  }
0xc3: {  	_ =	shalt  }
tec
execute0_lowered:
.L_overlay_start_1:
0x0: {  	(tag) =	ssettag $0x1  }
0x1: {  	s5 =	rddreg [dreg:$0x0]  }
0x2: {  	s0 =	srdreg.scid;
	s2 =	rddreg [dreg:$0x1]  }
0x3: {  	s1 =	rddreg [dreg:$0x2];
	s6 =	sand.u32 $0x1, s0  }
0x4: {  	s3 =	simm.s32 $0x0;
	s0 =	stileid.u32;
	s4 =	smul.u32 $0x27100, s6  }
0x5: {  	s17 =	simm.s32 $0x2900;
	s18 =	simm.s32 $0x2;
	s7 =	smul.u32 $0x2710, s0  }
0x6: {  	s19 =	simm.s32 $0x80;
	s20 =	simm.s32 $0x50;
	s30 =	smul.u32 $0x13C000, s6  }
0x7: {  	s21 =	simm.s32 $0x100;
	s22 =	simm.s32 $0x1;
	s8 =	smul.u32 $0x13C00, s0  }
0x8: {  	s23 =	simm.s32 $0x0;
	s9 =	smul.u32 $0x4F000, s0;
	s6 =	ssub.s32 $0x2, s6  }
0x9: {  	[smem:$0x7FF] =	sst s3;
	s31 =	sshrl.u32 s6, $0x1;
	s4 =	sadd.s32 s7, s4  }
0xa: {  	s7 =	sadd.s32 s8, s30;
	s9 =	sshrl.u32 s9, $0x2;
	s4 =	sshrl.u32 s4, $0x3  }
0xb: {  	s14 =	ssub.s32 s6, s31;
	s7 =	sshrl.u32 s7, $0x3;
	s16 =	sadd.s32 s4, s5  }
0xc: {  	s4 =	sadd.s32 $0x16000, s5;
	s13 =	sadd.s32 s7, s5;
	s5 =	sadd.s32 s9, s2  }
0xd: {  	_ =	strace $0x8000004A;
	s14 =	smax.u32 s14, $0x1;
	s6 =	sadd.s32 $0x2780, s5  }
0xe: {  	s7 =	sadd.s32 $0x4F00, s5;
	s8 =	sadd.s32 $0x7680, s5;
	s9 =	sadd.s32 $0x9E00, s5  }
0xf: {  	s10 =	sadd.s32 $0xC580, s5;
	s11 =	sadd.s32 $0xED00, s5;
	s12 =	sadd.s32 $0x11480, s5  }
0x10: {  	v0 =	vimm.f32 $0.0e+00;
	s13 =	sadd.s32 $0x3D200, s13;
	s15 =	sadd.s32 $0x2400, s16;
	s16 =	sadd.s32 $0xC200, s16  }
.LBB2_1:
0x11: {  	s24 =	sand.u32 $0xFE00, s3  }
0x12: {  	s25 =	sand.u32 $0x70, s3;
	s26 =	sshrl.u32 s24, $0x2  }
0x13: {  	s24 =	simm.s32 $0x40;
	s26 =	sor.u32 s25, s26;
	s25 =	simm.s32 $0x0  }
.LBB2_2:
0x14: {  	p0 =	sne.s32 s24, $0x9DC0  }
0x15: {  	[tilespmem:s26+$0x2900] =	vst v0;
	s25 =	sadd.s32 $0x10, s25;
	s26 =	smov.u32 s24;
	s24 =	sadd.s32 $0x40, s24  }
.Ltmp0:
0x16: {  	(pc) =	sbr.rel @p0 .LBB2_2-.Ltmp0, $4  }
0x17: {  	_ = 	snop  }
0x18: {  	s26 =	sand.u32 $0xFE00, s26  }
0x19: {  	s28 =	sand.u32 $0x70, s25;
	s26 =	sshrl.u32 s26, $0x2  }
0x1a: {  	s26 =	sor.u32 s28, s26  }
0x1b: {  	[tilespmem:s26+$0x2900] =	vst v0  }
0x1c: {  	[spmem:s5] =	stream.linear.scatter [tilespmem:s17], [sflag:$0x2], $0x2780, $0x38;
	[tilespmem:$0x18D00] =	vst v63  }
0x1d: {  	_ =	swait.ge [sflag:s18], $0x2780  }
0x1e: {  	[sflag:s18] =	ssyncset.done $0x0  }
0x1f: {  	[sflag:s18] =	ssyncadd.s32 $0xFFFFD880  }
0x20: {  	[spmem:s6] =	stream.linear.scatter [tilespmem:s17], [sflag:$0x2], $0x2780, $0x38;
	[tilespmem:$0x18D00] =	vst v63  }
0x21: {  	_ =	swait.ge [sflag:s18], $0x2780  }
0x22: {  	[sflag:s18] =	ssyncset.done $0x0  }
0x23: {  	[sflag:s18] =	ssyncadd.s32 $0xFFFFD880  }
0x24: {  	[spmem:s7] =	stream.linear.scatter [tilespmem:s17], [sflag:$0x2], $0x2780, $0x38;
	[tilespmem:$0x18D00] =	vst v63  }
0x25: {  	_ =	swait.ge [sflag:s18], $0x2780  }
0x26: {  	[sflag:s18] =	ssyncset.done $0x0  }
0x27: {  	[sflag:s18] =	ssyncadd.s32 $0xFFFFD880  }
0x28: {  	[spmem:s8] =	stream.linear.scatter [tilespmem:s17], [sflag:$0x2], $0x2780, $0x38;
	[tilespmem:$0x18D00] =	vst v63  }
0x29: {  	_ =	swait.ge [sflag:s18], $0x2780  }
0x2a: {  	[sflag:s18] =	ssyncset.done $0x0  }
0x2b: {  	[sflag:s18] =	ssyncadd.s32 $0xFFFFD880  }
0x2c: {  	[spmem:s9] =	stream.linear.scatter [tilespmem:s17], [sflag:$0x2], $0x2780, $0x38;
	[tilespmem:$0x18D00] =	vst v63  }
0x2d: {  	_ =	swait.ge [sflag:s18], $0x2780  }
0x2e: {  	[sflag:s18] =	ssyncset.done $0x0  }
0x2f: {  	[sflag:s18] =	ssyncadd.s32 $0xFFFFD880  }
0x30: {  	[spmem:s10] =	stream.linear.scatter [tilespmem:s17], [sflag:$0x2], $0x2780, $0x38;
	[tilespmem:$0x18D00] =	vst v63  }
0x31: {  	_ =	swait.ge [sflag:s18], $0x2780  }
0x32: {  	[sflag:s18] =	ssyncset.done $0x0  }
0x33: {  	[sflag:s18] =	ssyncadd.s32 $0xFFFFD880  }
0x34: {  	[spmem:s11] =	stream.linear.scatter [tilespmem:s17], [sflag:$0x2], $0x2780, $0x38;
	[tilespmem:$0x18D00] =	vst v63  }
0x35: {  	_ =	swait.ge [sflag:s18], $0x2780  }
0x36: {  	[sflag:s18] =	ssyncset.done $0x0  }
0x37: {  	[sflag:s18] =	ssyncadd.s32 $0xFFFFD880  }
0x38: {  	[spmem:s12] =	stream.linear.scatter [tilespmem:s17], [sflag:$0x2], $0x2780, $0x38;
	[tilespmem:$0x18D00] =	vst v63  }
0x39: {  	_ =	swait.ge [sflag:s18], $0x2780  }
0x3a: {  	[sflag:s18] =	ssyncset.done $0x0  }
0x3b: {  	[sflag:s18] =	ssyncadd.s32 $0xFFFFD880  }
0x3c: {  	s24 =	sadd.s32 $0x0, s16;
	[bflag:$0x0] =	sbarrier.arrive $0xFFFF  }
0x3d: {  	[tilespmem:s3], [sflag:$0x2] =	stream.linear.gather [hbm4b:s24+s3], $0x50, $0x38;
	[tilespmem:$0x18D00] =	vst v63  }
0x3e: {  	_ =	swait.ge [sflag:s18], $0x50  }
0x3f: {  	[sflag:s18] =	ssyncset.done $0x0  }
0x40: {  	s31 =	sadd.s32 $0x0, s15;
	[sflag:s18] =	ssyncadd.s32 $0xFFFFFFB0  }
0x41: {  	[tilespmem:s19], [sflag:$0x2] =	stream.linear.gather [hbm4b:s31+s3], $0x50, $0x38;
	[tilespmem:$0x18D00] =	vst v63  }
0x42: {  	_ =	swait.ge [sflag:s18], $0x50  }
0x43: {  	[sflag:s18] =	ssyncset.done $0x0  }
0x44: {  	[sflag:s18] =	ssyncadd.s32 $0xFFFFFFB0  }
0x45: {  	[tilespmem:s21], [sflag:$0x1] =	stream.indirect.gather [hbm4b:s4+s20], $0x80, s3, s20, $0xb8;
	[tilespmem:$0x18D00] =	vst v63  }
0x46: {  	_ =	swait.ge [sflag:s22], $0x2800  }
0x47: {  	[sflag:s22] =	ssyncset.done $0x0  }
0x48: {  	[sflag:s22] =	ssyncadd.s32 $0xFFFFD800  }
0x49: {  	[spmem:s2] =	stream.indirect.scatter.add.f32 [tilespmem:s21], [sflag:$0x2], $0x80, s19, s20, $0xb8;
	[tilespmem:$0x18D00] =	vst v63  }
0x4a: {  	_ =	swait.ge [sflag:s18], $0x2800  }
0x4b: {  	s25 =	simm.s32 $0x14;
	s24 =	simm.s32 $0xA;
	[sflag:s18] =	ssyncset.done $0x0  }
.LBB2_4:
0x4c: {  	s26 =	sadd.s32 s24, s16  }
0x4d: {  	[sflag:s18] =	ssyncadd.s32 $0xFFFFD800;
	s28 =	smov.u32 s25;
	s29 =	sadd.s32 $0xA, s25  }
0x4e: {  	[tilespmem:s3], [sflag:$0x2] =	stream.linear.gather [hbm4b:s26+s3], $0x50, $0x38;
	[tilespmem:$0x18D00] =	vst v63  }
0x4f: {  	p0 =	sne.s32 s25, $0x4D8;
	_ =	swait.ge [sflag:s18], $0x50  }
0x50: {  	[sflag:s18] =	ssyncset.done $0x0  }
0x51: {  	s25 =	sadd.s32 s24, s15;
	s24 =	smov.u32 s28;
	[sflag:s18] =	ssyncadd.s32 $0xFFFFFFB0  }
0x52: {  	[tilespmem:s19], [sflag:$0x2] =	stream.linear.gather [hbm4b:s25+s3], $0x50, $0x38;
	[tilespmem:$0x18D00] =	vst v63  }
0x53: {  	_ =	swait.ge [sflag:s18], $0x50  }
0x54: {  	[sflag:s18] =	ssyncset.done $0x0  }
0x55: {  	[sflag:s18] =	ssyncadd.s32 $0xFFFFFFB0  }
0x56: {  	[tilespmem:s21], [sflag:$0x1] =	stream.indirect.gather [hbm4b:s4+s20], $0x80, s3, s20, $0xb8;
	[tilespmem:$0x18D00] =	vst v63  }
0x57: {  	_ =	swait.ge [sflag:s22], $0x2800  }
.Ltmp1:
0x58: {  	[sflag:s22] =	ssyncset.done $0x0;
	(pc) =	sbr.rel @p0 .LBB2_4-.Ltmp1, $4  }
0x59: {  	[sflag:s22] =	ssyncadd.s32 $0xFFFFD800  }
0x5a: {  	[spmem:s2] =	stream.indirect.scatter.add.f32 [tilespmem:s21], [sflag:$0x2], $0x80, s19, s20, $0xb8;
	[tilespmem:$0x18D00] =	vst v63  }
0x5b: {  	_ =	swait.ge [sflag:s18], $0x2800  }
0x5c: {  	s25 =	smov.u32 s29;
	[sflag:s18] =	ssyncset.done $0x0  }
0x5d: {  	s25 =	sadd.s32 s24, s16;
	[sflag:s18] =	ssyncadd.s32 $0xFFFFD800  }
0x5e: {  	[tilespmem:s3], [sflag:$0x2] =	stream.linear.gather [hbm4b:s25+s3], $0x50, $0x38;
	[tilespmem:$0x18D00] =	vst v63  }
0x5f: {  	_ =	swait.ge [sflag:s18], $0x50  }
0x60: {  	[sflag:s18] =	ssyncset.done $0x0  }
0x61: {  	s29 =	sadd.s32 s24, s15;
	[sflag:s18] =	ssyncadd.s32 $0xFFFFFFB0  }
0x62: {  	[tilespmem:s19], [sflag:$0x2] =	stream.linear.gather [hbm4b:s29+s3], $0x50, $0x38;
	[tilespmem:$0x18D00] =	vst v63  }
0x63: {  	_ =	swait.ge [sflag:s18], $0x50  }
0x64: {  	[sflag:s18] =	ssyncset.done $0x0  }
0x65: {  	[sflag:s18] =	ssyncadd.s32 $0xFFFFFFB0  }
0x66: {  	[tilespmem:s21], [sflag:$0x1] =	stream.indirect.gather [hbm4b:s4+s20], $0x80, s3, s20, $0xb8;
	[tilespmem:$0x18D00] =	vst v63  }
0x67: {  	_ =	swait.ge [sflag:s22], $0x2800  }
0x68: {  	[sflag:s22] =	ssyncset.done $0x0  }
0x69: {  	[sflag:s22] =	ssyncadd.s32 $0xFFFFD800  }
0x6a: {  	[spmem:s2] =	stream.indirect.scatter.add.f32 [tilespmem:s21], [sflag:$0x2], $0x80, s19, s20, $0xb8;
	[tilespmem:$0x18D00] =	vst v63  }
0x6b: {  	_ =	swait.ge [sflag:s18], $0x2800  }
0x6c: {  	s30 =	sshll.u32 s0, $0x6;
	s23 =	sadd.s32 $0x1, s23;
	[sflag:s18] =	ssyncset.done $0x0  }
0x6d: {  	s31 =	sshrl.u32 s5, $0x3;
	p0 =	sne.s32 s23, s14;
	[sflag:s18] =	ssyncadd.s32 $0xFFFFD800  }
.Ltmp2:
0x6e: {  	s24 =	sor.u32 $0x1C02, s30;
	[bflag:$0x0] =	sbarrier.arrive $0xFFFF;
	(pc) =	sbr.rel @p0 .LBB2_1-.Ltmp2, $4  }
0x6f: {  	[hbm:s13], [sflag:s24] =	dma.local [spmem:s31], $0x2780  }
0x70: {  	_ =	swait.ge [sflag:s18], $0x2780  }
0x71: {  	[sflag:s18] =	ssyncset.done $0x0  }
0x72: {  	[sflag:s18] =	ssyncadd.s32 $0xFFFFD880  }
0x73: {  	_ =	sfence.sel $0x180000  }
0x74: {  	[bflag:$0x0] =	sbarrier.arrive $0xFFFF  }
0x75: {  	p0 =	sne.s32 s0, $0x0;
	_ =	strace $0x9000004A  }
0x76: {  	s0 =	sadd.s32 @!p0 $0x100000, s1;
	[bflag:$0x2] =	sbarrier.arrive $0xFFFF  }
0x77: {  	[sflag:s0] =	ssyncadd.tile.s32 @!p0 $0x1;
	_ =	shalt  }
.Lfunc_end2:
_tile_overlayer_lowered:
.L_overlay_start_2:
0x78: {  	(tag) =	ssettag $0x2  }
0x79: {  	s0 =	rddreg [dreg:$0x0];
	s2 =	stileid.u32  }
0x7a: {  	s1 =	rddreg [dreg:$0x1];
	p0 =	sne.s32 s2, $0x0  }
0x7b: {  	s3 =	rddreg [dreg:$0x2];
	[bflag:$0x3] =	sbarrier.arrive $0xFFFF;
	s2 =	simm.s32 @!p0 $0x1C02  }
0x7c: {  	[timem:s3], [sflag:s2] =	dma.local @!p0 [hbm:s0], s1  }
0x7d: {  	s0 =	simm.s32 @!p0 $0x2  }
0x7e: {  	_ =	swait.ge @!p0 [sflag:s0], s1  }
0x7f: {  	s1 =	ssub.s32 @!p0 $0x0, s1;
	[sflag:s0] =	ssyncset.done @!p0 $0x0  }
0x80: {  	[sflag:s0] =	ssyncadd.s32 @!p0 s1  }
0x81: {  	[bflag:$0x3] =	sbarrier.arrive $0xFFFF  }
0x82: {  	_ =	shalt  }

// kernel: kernel.15.cloned.1.call-start
scs
__scs_entry_jumppad:
0x0: {  	(pc) =	sbr.rel $0x88, $3  }
0x1: {  	(tag) =	ssettag $0x0;
	lr =	simm.s32 $0x1  }
0x2: {  	[smem:$0x3F9B] =	sst lr;
	_ =	strace $0xD0000000  }
0x3: {  	_ = 	snop  }
0x4: {  	_ = 	snop  }
0x5: {  	_ = 	snop  }
0x6: {  	_ = 	snop  }
0x7: {  	_ = 	snop  }
__scs_overlays_trampoline_lowered:
0x8: {  	[smem:$0x3FAA] =	sst s0  }
0x9: {  	[smem:$0x3FAB] =	sst s1  }
0xa: {  	[smem:$0x3FAC] =	sst s2  }
0xb: {  	[smem:$0x3FAD] =	sst s3  }
0xc: {  	[smem:$0x3FAE] =	sst s4  }
0xd: {  	[smem:$0x3FAF] =	sst s5  }
0xe: {  	[smem:$0x3FB0] =	sst s6  }
0xf: {  	[smem:$0x3FB1] =	sst s7  }
0x10: {  	[smem:$0x3FB2] =	sst s8  }
0x11: {  	[smem:$0x3FB3] =	sst s9;
	s0 =	simm.s32 @!p0 $0x0  }
0x12: {  	s1 =	sld [smem:$0x3F99];
	s0 =	simm.s32 @p0 $0x1  }
0x13: {  	[smem:$0x3FB4] =	sst s0;
	s0 =	simm.s32 @!p1 $0x0  }
0x14: {  	s2 =	sld [smem:$0x3F98];
	s0 =	simm.s32 @p1 $0x1  }
0x15: {  	[smem:$0x3FB5] =	sst s0;
	s0 =	simm.s32 @!p2 $0x0  }
0x16: {  	s3 =	sld [smem:$0x3FDB];
	s0 =	simm.s32 @p2 $0x1  }
0x17: {  	s4 =	simm.s32 $0x1BF5;
	[smem:$0x3FB7] =	sst s0  }
0x18: {  	s0 =	sld [smem:$0x3F9A];
	_ =	swait.ge [sflag:s4], $0x0  }
0x19: {  	s7 =	sld [smem:$0x3F9B]  }
0x1a: {  	s8 =	sadd.s32 $0xFFFFE003, lr  }
0x1b: {  	s9 =	sadd.s32 $0xFFFFFEF7, lr;
	s5 =	simm.s32 $0xFFFFFFFF;
	p2 =	slt.u32 s8, $0xFFFFF086  }
0x1c: {  	p1 =	slt.u32 s9, $0xF7A;
	s5 =	simm.s32 @!p2 $0x0  }
0x1d: {  	s5 =	simm.s32 @p1 $0x1;
	p0 =	seq.s32 s7, s2  }
0x1e: {  	s7 =	smul.u32 @!p0 $0xF7A, s2;
	p2 =	seq.s32 @!p0 s5, $0x0  }
0x1f: {  	s9 =	smul.u32 $0xF7A, s1;
	s8 =	simm.s32 @!p0 $0x1BF5;
	p2 =	por !p2, p0  }
0x20: {  	[sflag:s8] =	ssyncset.s32 @!p0 $0xFFFFF086;
	s6 =	sadd.s32 @!p0 s3, s7;
	s7 =	simm.s32 @!p0 $0x108  }
0x21: {  	s3 =	sadd.s32 s3, s9;
	s6 =	sadd.s32 @!p0 $0x88, s6;
	s7 =	simm.s32 @p2 $0x1082  }
0x22: {  	[simem:s7], [sflag:s8] =	dma.local @!p0 [hbm:s6], $0xF7A  }
0x23: {  	s9 =	sor.u32 $0xD0000000, s2;
	s6 =	simm.s32 $0x108;
	_ =	swait.ge @!p0 [sflag:s8], $0x0  }
0x24: {  	s3 =	sadd.s32 $0x88, s3;
	s6 =	simm.s32 @!p1 $0x1082;
	[sflag:s4] =	ssyncset.s32 $0xFFFFF086  }
0x25: {  	[simem:s6], [sflag:s4] =	dma.local [hbm:s3], $0xF7A  }
0x26: {  	[smem:$0x3F9B] =	sst s1;
	(tag) =	ssettag s2;
	_ =	strace s9  }
0x27: {  	s1 =	sld [smem:$0x3FAB]  }
0x28: {  	s2 =	sld [smem:$0x3FAC]  }
0x29: {  	s4 =	sld [smem:$0x3FAE]  }
0x2a: {  	p0 =	seq.s32 s5, $0x0;
	s5 =	sld [smem:$0x3FAF]  }
0x2b: {  	s6 =	sld [smem:$0x3FB0]  }
0x2c: {  	s7 =	sld [smem:$0x3FB1]  }
0x2d: {  	s3 =	simm.s32 $0x108;
	s8 =	sld [smem:$0x3FB2]  }
0x2e: {  	s3 =	simm.s32 @!p0 $0x1082;
	s9 =	sld [smem:$0x3FB3]  }
0x2f: {  	lr =	sadd.s32 s0, s3;
	s0 =	sld [smem:$0x3FAA]  }
0x30: {  	s3 =	sld [smem:$0x3FAD]  }
0x31: {  	[smem:$0x3FB6] =	sst s10  }
0x32: {  	s10 =	sld [smem:$0x3FB4];
	_ =	sdelay $0x3  }
0x33: {  	p0 =	seq.s32 s10, $0x1;
	s10 =	sld [smem:$0x3FB6];
	_ =	sdelay $0x3  }
0x34: {  	[smem:$0x3FB6] =	sst s10  }
0x35: {  	s10 =	sld [smem:$0x3FB5];
	_ =	sdelay $0x3  }
0x36: {  	p1 =	seq.s32 s10, $0x1;
	s10 =	sld [smem:$0x3FB6];
	_ =	sdelay $0x3  }
0x37: {  	[smem:$0x3FB6] =	sst s10  }
0x38: {  	s10 =	sld [smem:$0x3FB7]  }
0x39: {  	_ = 	snop;
	(pc) =	sbr.ind lr, $3  }
0x3a: {  	_ = 	snop  }
0x3b: {  	_ = 	snop  }
0x3c: {  	p2 =	seq.s32 s10, $0x1;
	s10 =	sld [smem:$0x3FB6]  }
0x3d: {  	_ =	shalt  }
0x3e: {  	_ =	shalt  }
0x3f: {  	_ =	shalt  }
0x40: {  	_ =	shalt  }
0x41: {  	_ =	shalt  }
0x42: {  	_ =	shalt  }
0x43: {  	_ =	shalt  }
0x44: {  	_ =	shalt  }
0x45: {  	_ =	shalt  }
0x46: {  	_ =	shalt  }
0x47: {  	_ =	shalt  }
0x48: {  	_ =	shalt  }
0x49: {  	_ =	shalt  }
0x4a: {  	_ =	shalt  }
0x4b: {  	_ =	shalt  }
0x4c: {  	_ =	shalt  }
0x4d: {  	_ =	shalt  }
0x4e: {  	_ =	shalt  }
0x4f: {  	_ =	shalt  }
0x50: {  	_ =	shalt  }
0x51: {  	_ =	shalt  }
0x52: {  	_ =	shalt  }
0x53: {  	_ =	shalt  }
0x54: {  	_ =	shalt  }
0x55: {  	_ =	shalt  }
0x56: {  	_ =	shalt  }
0x57: {  	_ =	shalt  }
0x58: {  	_ =	shalt  }
0x59: {  	_ =	shalt  }
0x5a: {  	_ =	shalt  }
0x5b: {  	_ =	shalt  }
0x5c: {  	_ =	shalt  }
0x5d: {  	_ =	shalt  }
0x5e: {  	_ =	shalt  }
0x5f: {  	_ =	shalt  }
0x60: {  	_ =	shalt  }
0x61: {  	_ =	shalt  }
0x62: {  	_ =	shalt  }
0x63: {  	_ =	shalt  }
0x64: {  	_ =	shalt  }
0x65: {  	_ =	shalt  }
0x66: {  	_ =	shalt  }
0x67: {  	_ =	shalt  }
0x68: {  	_ =	shalt  }
0x69: {  	_ =	shalt  }
0x6a: {  	_ =	shalt  }
0x6b: {  	_ =	shalt  }
0x6c: {  	_ =	shalt  }
0x6d: {  	_ =	shalt  }
0x6e: {  	_ =	shalt  }
0x6f: {  	_ =	shalt  }
0x70: {  	_ =	shalt  }
0x71: {  	_ =	shalt  }
0x72: {  	_ =	shalt  }
0x73: {  	_ =	shalt  }
0x74: {  	_ =	shalt  }
0x75: {  	_ =	shalt  }
0x76: {  	_ =	shalt  }
0x77: {  	_ =	shalt  }
0x78: {  	_ =	shalt  }
0x79: {  	_ =	shalt  }
0x7a: {  	_ =	shalt  }
0x7b: {  	_ =	shalt  }
0x7c: {  	_ =	shalt  }
0x7d: {  	_ =	shalt  }
0x7e: {  	_ =	shalt  }
0x7f: {  	_ =	shalt  }
0x80: {  	_ =	shalt  }
0x81: {  	_ =	shalt  }
0x82: {  	_ =	shalt  }
0x83: {  	_ =	shalt  }
0x84: {  	_ =	shalt  }
0x85: {  	_ =	shalt  }
0x86: {  	_ =	shalt  }
0x87: {  	_ =	shalt  }
.Lfunc_end0:
.L_simem_size_0:
called_computation.2_lowered:
.L_overlay_start_0:
0x88: {  	s2 =	sld [smem:$0x3FD9]  }
0x89: {  	s3 =	sld [smem:$0x3FFE];
	_ =	sdelay $0x1  }
0x8a: {  	s1 =	srdreg.scid  }
0x8b: {  	s0 =	sand.u32 $0x1, s1  }
0x8c: {  	s16 =	sshll.u32 s0, $0xA;
	s2 =	sadd.s32 s3, s2  }
0x8d: {  	s2 =	sadd.s32 s2, s16  }
0x8e: {  	[smem:$0x3FC2] =	sst s2  }
0x8f: {  	_ = 	snop  }
0x90: {  	(tm) =	ssettm $0x1  }
0x91: {  	s17 =	sld [smem:$0x3FFB];
	_ =	sdelay $0x3  }
0x92: {  	_ =	strace s17  }
0x93: {  	s2 =	sld [smem:$0x3FFC];
	_ =	sdelay $0x3  }
0x94: {  	_ =	strace s2  }
0x95: {  	s2 =	sld [smem:$0x3FFD];
	_ =	sdelay $0x3  }
0x96: {  	_ =	strace s2  }
0x97: {  	_ =	strace $0x8FFFFFFF  }
0x98: {  	s18 =	sld [smem:$0x3FDB];
	_ =	sdelay $0x1  }
0x99: {  	s19 =	simm.s32 $_scs_section_size  }
0x9a: {  	s4 =	simm.s32 $_size__tile_overlayer_lowered;
	s5 =	simm.s32 $_tile_overlayer_lowered  }
0x9b: {  	s22 =	simm.s32 $0x1BFF;
	s21 =	sshll.u32 s5, $0x1;
	s2 =	sadd.s32 s19, s18  }
0x9c: {  	s6 =	simm.s32 $0x0;
	s20 =	sshll.u32 s4, $0x1;
	s4 =	sadd.s32 s21, s2  }
0x9d: {  	[timem:s6], [sflag:s22] =	dma.local [hbm:s4], s20  }
0x9e: {  	_ =	swait.ge [sflag:s22], s20  }
0x9f: {  	s3 =	ssub.s32 $0x0, s20;
	[sflag:s22] =	ssyncset.done $0x0  }
0xa0: {  	[sflag:s22] =	ssyncadd.s32 s3;
	_ =	sdelay $0x1  }
0xa1: {  	s23 =	simm.s32 $0x1B8B  }
0xa2: {  	_ =	swait.ge [sflag:s23], $0x1  }
0xa3: {  	[sflag:s23] =	ssyncset.done $0x0  }
0xa4: {  	s25 =	simm.s32 $0x1B8E;
	s24 =	sld [smem:$0x3FFE];
	[sflag:s23] =	ssyncadd.s32 $0xFFFFFFFF  }
0xa5: {  	s26 =	simm.s32 $execute0_lowered;
	[smem:$0x3FD2] =	sst s25  }
0xa6: {  	s4 =	sshll.u32 s26, $0x1;
	_ =	strace $0x8000004C;
	[dreg:$0x1] =	wrdreg $0xFFFFFFFF  }
0xa7: {  	s28 =	simm.s32 $_size_execute0_lowered;
	s2 =	sadd.s32 s2, s4;
	[dreg:$0x0] =	wrdreg $0x0  }
0xa8: {  	s4 =	sshll.u32 s28, $0x1;
	[dreg:$0x2] =	wrdreg s2  }
0xa9: {  	[dreg:$0x3] =	wrdreg s4  }
0xaa: {  	[dreg:$0x4] =	wrdreg $0xC0  }
0xab: {  	_ =	task [dreg:s6], $0x5FFFF  }
0xac: {  	[dreg:$0x1] =	wrdreg $0xFFFFFFFF  }
0xad: {  	[dreg:$0x0] =	wrdreg $0x60  }
0xae: {  	[dreg:$0x2] =	wrdreg s24  }
0xaf: {  	[dreg:$0x3] =	wrdreg $0x51000  }
0xb0: {  	[dreg:$0x4] =	wrdreg $0x9  }
0xb1: {  	_ =	task.clear_ibuf [dreg:s6], $0x5FFFF;
	_ =	strace $0x9000004C  }
0xb2: {  	s29 =	simm.s32 $0x9;
	_ =	strace $0x8000004E  }
0xb3: {  	_ =	swait.ge [sflag:s29], $0x1  }
0xb4: {  	[sflag:s29] =	ssyncadd.s32 $0xFFFFFFFF  }
0xb5: {  	_ =	strace $0x9000004E  }
0xb6: {  	_ =	sfence  }
0xb7: {  	s30 =	sld [smem:$0x0];
	_ =	sdelay $0x2  }
0xb8: {  	s31 =	sshll.u32 s1, $0xD;
	s1 =	sshrl.u32 s1, $0x2  }
0xb9: {  	s3 =	sand.u32 $0x4000, s31;
	s1 =	sadd.s32 s1, s30  }
0xba: {  	s0 =	sor.u32 s3, s0;
	s1 =	sshll.u32 s1, $0x11  }
0xbb: {  	s0 =	sor.u32 s1, s0  }
0xbc: {  	s0 =	sadd.s32 $0x8F2B, s0  }
0xbd: {  	[sflag:s0] =	ssyncadd.remote.s32 $0x1  }
0xbe: {  	_ =	sfence.sel $0xFFFF  }
0xbf: {  	[dreg:$0x0] =	wrdreg $0xFFFFFFFF;
	(pc) =	sbr.abs _section_cstart, $3  }
0xc0: {  	[dreg:$0x1] =	wrdreg $0xFFFFFFFF  }
0xc1: {  	_ =	task.clear_ibuf [dreg:s6], $0x2FFFF;
	_ =	strace $0x9FFFFFFF  }
0xc2: {  	(tm) =	ssettm $0x7FFFFFFF  }
0xc3: {  	_ =	shalt  }
tec
execute0_lowered:
.L_overlay_start_1:
0x0: {  	(tag) =	ssettag $0x1  }
0x1: {  	s5 =	rddreg [dreg:$0x0]  }
0x2: {  	s0 =	srdreg.scid;
	s2 =	rddreg [dreg:$0x1]  }
0x3: {  	s1 =	rddreg [dreg:$0x2];
	s6 =	sand.u32 $0x1, s0  }
0x4: {  	s3 =	simm.s32 $0x0;
	s0 =	stileid.u32;
	s4 =	smul.u32 $0x27100, s6  }
0x5: {  	s17 =	simm.s32 $0x2900;
	s18 =	simm.s32 $0x2;
	s7 =	smul.u32 $0x2710, s0  }
0x6: {  	s19 =	simm.s32 $0x80;
	s20 =	simm.s32 $0x50;
	s30 =	smul.u32 $0x13C000, s6  }
0x7: {  	s21 =	simm.s32 $0x100;
	s22 =	simm.s32 $0x1;
	s8 =	smul.u32 $0x13C00, s0  }
0x8: {  	s23 =	simm.s32 $0x0;
	s9 =	smul.u32 $0x4F000, s0;
	s6 =	ssub.s32 $0x2, s6  }
0x9: {  	[smem:$0x7FF] =	sst s3;
	s31 =	sshrl.u32 s6, $0x1;
	s4 =	sadd.s32 s7, s4  }
0xa: {  	s7 =	sadd.s32 s8, s30;
	s9 =	sshrl.u32 s9, $0x2;
	s4 =	sshrl.u32 s4, $0x3  }
0xb: {  	s14 =	ssub.s32 s6, s31;
	s7 =	sshrl.u32 s7, $0x3;
	s16 =	sadd.s32 s4, s5  }
0xc: {  	s4 =	sadd.s32 $0x16000, s5;
	s13 =	sadd.s32 s7, s5;
	s5 =	sadd.s32 s9, s2  }
0xd: {  	_ =	strace $0x8000004D;
	s14 =	smax.u32 s14, $0x1;
	s6 =	sadd.s32 $0x2780, s5  }
0xe: {  	s7 =	sadd.s32 $0x4F00, s5;
	s8 =	sadd.s32 $0x7680, s5;
	s9 =	sadd.s32 $0x9E00, s5  }
0xf: {  	s10 =	sadd.s32 $0xC580, s5;
	s11 =	sadd.s32 $0xED00, s5;
	s12 =	sadd.s32 $0x11480, s5  }
0x10: {  	v0 =	vimm.f32 $0.0e+00;
	s13 =	sadd.s32 $0x3D200, s13;
	s15 =	sadd.s32 $0x2400, s16;
	s16 =	sadd.s32 $0xC200, s16  }
.LBB2_1:
0x11: {  	s24 =	sand.u32 $0xFE00, s3  }
0x12: {  	s25 =	sand.u32 $0x70, s3;
	s26 =	sshrl.u32 s24, $0x2  }
0x13: {  	s24 =	simm.s32 $0x40;
	s26 =	sor.u32 s25, s26;
	s25 =	simm.s32 $0x0  }
.LBB2_2:
0x14: {  	p0 =	sne.s32 s24, $0x9DC0  }
0x15: {  	[tilespmem:s26+$0x2900] =	vst v0;
	s25 =	sadd.s32 $0x10, s25;
	s26 =	smov.u32 s24;
	s24 =	sadd.s32 $0x40, s24  }
.Ltmp0:
0x16: {  	(pc) =	sbr.rel @p0 .LBB2_2-.Ltmp0, $4  }
0x17: {  	_ = 	snop  }
0x18: {  	s26 =	sand.u32 $0xFE00, s26  }
0x19: {  	s28 =	sand.u32 $0x70, s25;
	s26 =	sshrl.u32 s26, $0x2  }
0x1a: {  	s26 =	sor.u32 s28, s26  }
0x1b: {  	[tilespmem:s26+$0x2900] =	vst v0  }
0x1c: {  	[spmem:s5] =	stream.linear.scatter [tilespmem:s17], [sflag:$0x2], $0x2780, $0x38;
	[tilespmem:$0x18D00] =	vst v63  }
0x1d: {  	_ =	swait.ge [sflag:s18], $0x2780  }
0x1e: {  	[sflag:s18] =	ssyncset.done $0x0  }
0x1f: {  	[sflag:s18] =	ssyncadd.s32 $0xFFFFD880  }
0x20: {  	[spmem:s6] =	stream.linear.scatter [tilespmem:s17], [sflag:$0x2], $0x2780, $0x38;
	[tilespmem:$0x18D00] =	vst v63  }
0x21: {  	_ =	swait.ge [sflag:s18], $0x2780  }
0x22: {  	[sflag:s18] =	ssyncset.done $0x0  }
0x23: {  	[sflag:s18] =	ssyncadd.s32 $0xFFFFD880  }
0x24: {  	[spmem:s7] =	stream.linear.scatter [tilespmem:s17], [sflag:$0x2], $0x2780, $0x38;
	[tilespmem:$0x18D00] =	vst v63  }
0x25: {  	_ =	swait.ge [sflag:s18], $0x2780  }
0x26: {  	[sflag:s18] =	ssyncset.done $0x0  }
0x27: {  	[sflag:s18] =	ssyncadd.s32 $0xFFFFD880  }
0x28: {  	[spmem:s8] =	stream.linear.scatter [tilespmem:s17], [sflag:$0x2], $0x2780, $0x38;
	[tilespmem:$0x18D00] =	vst v63  }
0x29: {  	_ =	swait.ge [sflag:s18], $0x2780  }
0x2a: {  	[sflag:s18] =	ssyncset.done $0x0  }
0x2b: {  	[sflag:s18] =	ssyncadd.s32 $0xFFFFD880  }
0x2c: {  	[spmem:s9] =	stream.linear.scatter [tilespmem:s17], [sflag:$0x2], $0x2780, $0x38;
	[tilespmem:$0x18D00] =	vst v63  }
0x2d: {  	_ =	swait.ge [sflag:s18], $0x2780  }
0x2e: {  	[sflag:s18] =	ssyncset.done $0x0  }
0x2f: {  	[sflag:s18] =	ssyncadd.s32 $0xFFFFD880  }
0x30: {  	[spmem:s10] =	stream.linear.scatter [tilespmem:s17], [sflag:$0x2], $0x2780, $0x38;
	[tilespmem:$0x18D00] =	vst v63  }
0x31: {  	_ =	swait.ge [sflag:s18], $0x2780  }
0x32: {  	[sflag:s18] =	ssyncset.done $0x0  }
0x33: {  	[sflag:s18] =	ssyncadd.s32 $0xFFFFD880  }
0x34: {  	[spmem:s11] =	stream.linear.scatter [tilespmem:s17], [sflag:$0x2], $0x2780, $0x38;
	[tilespmem:$0x18D00] =	vst v63  }
0x35: {  	_ =	swait.ge [sflag:s18], $0x2780  }
0x36: {  	[sflag:s18] =	ssyncset.done $0x0  }
0x37: {  	[sflag:s18] =	ssyncadd.s32 $0xFFFFD880  }
0x38: {  	[spmem:s12] =	stream.linear.scatter [tilespmem:s17], [sflag:$0x2], $0x2780, $0x38;
	[tilespmem:$0x18D00] =	vst v63  }
0x39: {  	_ =	swait.ge [sflag:s18], $0x2780  }
0x3a: {  	[sflag:s18] =	ssyncset.done $0x0  }
0x3b: {  	[sflag:s18] =	ssyncadd.s32 $0xFFFFD880  }
0x3c: {  	s24 =	sadd.s32 $0x0, s16;
	[bflag:$0x0] =	sbarrier.arrive $0xFFFF  }
0x3d: {  	[tilespmem:s3], [sflag:$0x2] =	stream.linear.gather [hbm4b:s24+s3], $0x50, $0x38;
	[tilespmem:$0x18D00] =	vst v63  }
0x3e: {  	_ =	swait.ge [sflag:s18], $0x50  }
0x3f: {  	[sflag:s18] =	ssyncset.done $0x0  }
0x40: {  	s31 =	sadd.s32 $0x0, s15;
	[sflag:s18] =	ssyncadd.s32 $0xFFFFFFB0  }
0x41: {  	[tilespmem:s19], [sflag:$0x2] =	stream.linear.gather [hbm4b:s31+s3], $0x50, $0x38;
	[tilespmem:$0x18D00] =	vst v63  }
0x42: {  	_ =	swait.ge [sflag:s18], $0x50  }
0x43: {  	[sflag:s18] =	ssyncset.done $0x0  }
0x44: {  	[sflag:s18] =	ssyncadd.s32 $0xFFFFFFB0  }
0x45: {  	[tilespmem:s21], [sflag:$0x1] =	stream.indirect.gather [hbm4b:s4+s20], $0x80, s3, s20, $0xb8;
	[tilespmem:$0x18D00] =	vst v63  }
0x46: {  	_ =	swait.ge [sflag:s22], $0x2800  }
0x47: {  	[sflag:s22] =	ssyncset.done $0x0  }
0x48: {  	[sflag:s22] =	ssyncadd.s32 $0xFFFFD800  }
0x49: {  	[spmem:s2] =	stream.indirect.scatter.add.f32 [tilespmem:s21], [sflag:$0x2], $0x80, s19, s20, $0xb8;
	[tilespmem:$0x18D00] =	vst v63  }
0x4a: {  	_ =	swait.ge [sflag:s18], $0x2800  }
0x4b: {  	s25 =	simm.s32 $0x14;
	s24 =	simm.s32 $0xA;
	[sflag:s18] =	ssyncset.done $0x0  }
.LBB2_4:
0x4c: {  	s26 =	sadd.s32 s24, s16  }
0x4d: {  	[sflag:s18] =	ssyncadd.s32 $0xFFFFD800;
	s28 =	smov.u32 s25;
	s29 =	sadd.s32 $0xA, s25  }
0x4e: {  	[tilespmem:s3], [sflag:$0x2] =	stream.linear.gather [hbm4b:s26+s3], $0x50, $0x38;
	[tilespmem:$0x18D00] =	vst v63  }
0x4f: {  	p0 =	sne.s32 s25, $0x4D8;
	_ =	swait.ge [sflag:s18], $0x50  }
0x50: {  	[sflag:s18] =	ssyncset.done $0x0  }
0x51: {  	s25 =	sadd.s32 s24, s15;
	s24 =	smov.u32 s28;
	[sflag:s18] =	ssyncadd.s32 $0xFFFFFFB0  }
0x52: {  	[tilespmem:s19], [sflag:$0x2] =	stream.linear.gather [hbm4b:s25+s3], $0x50, $0x38;
	[tilespmem:$0x18D00] =	vst v63  }
0x53: {  	_ =	swait.ge [sflag:s18], $0x50  }
0x54: {  	[sflag:s18] =	ssyncset.done $0x0  }
0x55: {  	[sflag:s18] =	ssyncadd.s32 $0xFFFFFFB0  }
0x56: {  	[tilespmem:s21], [sflag:$0x1] =	stream.indirect.gather [hbm4b:s4+s20], $0x80, s3, s20, $0xb8;
	[tilespmem:$0x18D00] =	vst v63  }
0x57: {  	_ =	swait.ge [sflag:s22], $0x2800  }
.Ltmp1:
0x58: {  	[sflag:s22] =	ssyncset.done $0x0;
	(pc) =	sbr.rel @p0 .LBB2_4-.Ltmp1, $4  }
0x59: {  	[sflag:s22] =	ssyncadd.s32 $0xFFFFD800  }
0x5a: {  	[spmem:s2] =	stream.indirect.scatter.add.f32 [tilespmem:s21], [sflag:$0x2], $0x80, s19, s20, $0xb8;
	[tilespmem:$0x18D00] =	vst v63  }
0x5b: {  	_ =	swait.ge [sflag:s18], $0x2800  }
0x5c: {  	s25 =	smov.u32 s29;
	[sflag:s18] =	ssyncset.done $0x0  }
0x5d: {  	s25 =	sadd.s32 s24, s16;
	[sflag:s18] =	ssyncadd.s32 $0xFFFFD800  }
0x5e: {  	[tilespmem:s3], [sflag:$0x2] =	stream.linear.gather [hbm4b:s25+s3], $0x50, $0x38;
	[tilespmem:$0x18D00] =	vst v63  }
0x5f: {  	_ =	swait.ge [sflag:s18], $0x50  }
0x60: {  	[sflag:s18] =	ssyncset.done $0x0  }
0x61: {  	s29 =	sadd.s32 s24, s15;
	[sflag:s18] =	ssyncadd.s32 $0xFFFFFFB0  }
0x62: {  	[tilespmem:s19], [sflag:$0x2] =	stream.linear.gather [hbm4b:s29+s3], $0x50, $0x38;
	[tilespmem:$0x18D00] =	vst v63  }
0x63: {  	_ =	swait.ge [sflag:s18], $0x50  }
0x64: {  	[sflag:s18] =	ssyncset.done $0x0  }
0x65: {  	[sflag:s18] =	ssyncadd.s32 $0xFFFFFFB0  }
0x66: {  	[tilespmem:s21], [sflag:$0x1] =	stream.indirect.gather [hbm4b:s4+s20], $0x80, s3, s20, $0xb8;
	[tilespmem:$0x18D00] =	vst v63  }
0x67: {  	_ =	swait.ge [sflag:s22], $0x2800  }
0x68: {  	[sflag:s22] =	ssyncset.done $0x0  }
0x69: {  	[sflag:s22] =	ssyncadd.s32 $0xFFFFD800  }
0x6a: {  	[spmem:s2] =	stream.indirect.scatter.add.f32 [tilespmem:s21], [sflag:$0x2], $0x80, s19, s20, $0xb8;
	[tilespmem:$0x18D00] =	vst v63  }
0x6b: {  	_ =	swait.ge [sflag:s18], $0x2800  }
0x6c: {  	s30 =	sshll.u32 s0, $0x6;
	s23 =	sadd.s32 $0x1, s23;
	[sflag:s18] =	ssyncset.done $0x0  }
0x6d: {  	s31 =	sshrl.u32 s5, $0x3;
	p0 =	sne.s32 s23, s14;
	[sflag:s18] =	ssyncadd.s32 $0xFFFFD800  }
.Ltmp2:
0x6e: {  	s24 =	sor.u32 $0x1C02, s30;
	[bflag:$0x0] =	sbarrier.arrive $0xFFFF;
	(pc) =	sbr.rel @p0 .LBB2_1-.Ltmp2, $4  }
0x6f: {  	[hbm:s13], [sflag:s24] =	dma.local [spmem:s31], $0x2780  }
0x70: {  	_ =	swait.ge [sflag:s18], $0x2780  }
0x71: {  	[sflag:s18] =	ssyncset.done $0x0  }
0x72: {  	[sflag:s18] =	ssyncadd.s32 $0xFFFFD880  }
0x73: {  	_ =	sfence.sel $0x180000  }
0x74: {  	[bflag:$0x0] =	sbarrier.arrive $0xFFFF  }
0x75: {  	p0 =	sne.s32 s0, $0x0;
	_ =	strace $0x9000004D  }
0x76: {  	s0 =	sadd.s32 @!p0 $0x100000, s1;
	[bflag:$0x2] =	sbarrier.arrive $0xFFFF  }
0x77: {  	[sflag:s0] =	ssyncadd.tile.s32 @!p0 $0x1;
	_ =	shalt  }
.Lfunc_end2:
_tile_overlayer_lowered:
.L_overlay_start_2:
0x78: {  	(tag) =	ssettag $0x2  }
0x79: {  	s0 =	rddreg [dreg:$0x0];
	s2 =	stileid.u32  }
0x7a: {  	s1 =	rddreg [dreg:$0x1];
	p0 =	sne.s32 s2, $0x0  }
0x7b: {  	s3 =	rddreg [dreg:$0x2];
	[bflag:$0x3] =	sbarrier.arrive $0xFFFF;
	s2 =	simm.s32 @!p0 $0x1C02  }
0x7c: {  	[timem:s3], [sflag:s2] =	dma.local @!p0 [hbm:s0], s1  }
0x7d: {  	s0 =	simm.s32 @!p0 $0x2  }
0x7e: {  	_ =	swait.ge @!p0 [sflag:s0], s1  }
0x7f: {  	s1 =	ssub.s32 @!p0 $0x0, s1;
	[sflag:s0] =	ssyncset.done @!p0 $0x0  }
0x80: {  	[sflag:s0] =	ssyncadd.s32 @!p0 s1  }
0x81: {  	[bflag:$0x3] =	sbarrier.arrive $0xFFFF  }
0x82: {  	_ =	shalt  }

// kernel: kernel.9.cloned.1.call-start
scs
__scs_entry_jumppad:
0x0: {  	(pc) =	sbr.rel $0x88, $3  }
0x1: {  	(tag) =	ssettag $0x0;
	lr =	simm.s32 $0x1  }
0x2: {  	[smem:$0x3F9B] =	sst lr;
	_ =	strace $0xD0000000  }
0x3: {  	_ = 	snop  }
0x4: {  	_ = 	snop  }
0x5: {  	_ = 	snop  }
0x6: {  	_ = 	snop  }
0x7: {  	_ = 	snop  }
__scs_overlays_trampoline_lowered:
0x8: {  	[smem:$0x3FAA] =	sst s0  }
0x9: {  	[smem:$0x3FAB] =	sst s1  }
0xa: {  	[smem:$0x3FAC] =	sst s2  }
0xb: {  	[smem:$0x3FAD] =	sst s3  }
0xc: {  	[smem:$0x3FAE] =	sst s4  }
0xd: {  	[smem:$0x3FAF] =	sst s5  }
0xe: {  	[smem:$0x3FB0] =	sst s6  }
0xf: {  	[smem:$0x3FB1] =	sst s7  }
0x10: {  	[smem:$0x3FB2] =	sst s8  }
0x11: {  	[smem:$0x3FB3] =	sst s9;
	s0 =	simm.s32 @!p0 $0x0  }
0x12: {  	s1 =	sld [smem:$0x3F99];
	s0 =	simm.s32 @p0 $0x1  }
0x13: {  	[smem:$0x3FB4] =	sst s0;
	s0 =	simm.s32 @!p1 $0x0  }
0x14: {  	s2 =	sld [smem:$0x3F98];
	s0 =	simm.s32 @p1 $0x1  }
0x15: {  	[smem:$0x3FB5] =	sst s0;
	s0 =	simm.s32 @!p2 $0x0  }
0x16: {  	s3 =	sld [smem:$0x3FDB];
	s0 =	simm.s32 @p2 $0x1  }
0x17: {  	s4 =	simm.s32 $0x1BF5;
	[smem:$0x3FB7] =	sst s0  }
0x18: {  	s0 =	sld [smem:$0x3F9A];
	_ =	swait.ge [sflag:s4], $0x0  }
0x19: {  	s7 =	sld [smem:$0x3F9B]  }
0x1a: {  	s8 =	sadd.s32 $0xFFFFE003, lr  }
0x1b: {  	s9 =	sadd.s32 $0xFFFFFEF7, lr;
	s5 =	simm.s32 $0xFFFFFFFF;
	p2 =	slt.u32 s8, $0xFFFFF086  }
0x1c: {  	p1 =	slt.u32 s9, $0xF7A;
	s5 =	simm.s32 @!p2 $0x0  }
0x1d: {  	s5 =	simm.s32 @p1 $0x1;
	p0 =	seq.s32 s7, s2  }
0x1e: {  	s7 =	smul.u32 @!p0 $0xF7A, s2;
	p2 =	seq.s32 @!p0 s5, $0x0  }
0x1f: {  	s9 =	smul.u32 $0xF7A, s1;
	s8 =	simm.s32 @!p0 $0x1BF5;
	p2 =	por !p2, p0  }
0x20: {  	[sflag:s8] =	ssyncset.s32 @!p0 $0xFFFFF086;
	s6 =	sadd.s32 @!p0 s3, s7;
	s7 =	simm.s32 @!p0 $0x108  }
0x21: {  	s3 =	sadd.s32 s3, s9;
	s6 =	sadd.s32 @!p0 $0x88, s6;
	s7 =	simm.s32 @p2 $0x1082  }
0x22: {  	[simem:s7], [sflag:s8] =	dma.local @!p0 [hbm:s6], $0xF7A  }
0x23: {  	s9 =	sor.u32 $0xD0000000, s2;
	s6 =	simm.s32 $0x108;
	_ =	swait.ge @!p0 [sflag:s8], $0x0  }
0x24: {  	s3 =	sadd.s32 $0x88, s3;
	s6 =	simm.s32 @!p1 $0x1082;
	[sflag:s4] =	ssyncset.s32 $0xFFFFF086  }
0x25: {  	[simem:s6], [sflag:s4] =	dma.local [hbm:s3], $0xF7A  }
0x26: {  	[smem:$0x3F9B] =	sst s1;
	(tag) =	ssettag s2;
	_ =	strace s9  }
0x27: {  	s1 =	sld [smem:$0x3FAB]  }
0x28: {  	s2 =	sld [smem:$0x3FAC]  }
0x29: {  	s4 =	sld [smem:$0x3FAE]  }
0x2a: {  	p0 =	seq.s32 s5, $0x0;
	s5 =	sld [smem:$0x3FAF]  }
0x2b: {  	s6 =	sld [smem:$0x3FB0]  }
0x2c: {  	s7 =	sld [smem:$0x3FB1]  }
0x2d: {  	s3 =	simm.s32 $0x108;
	s8 =	sld [smem:$0x3FB2]  }
0x2e: {  	s3 =	simm.s32 @!p0 $0x1082;
	s9 =	sld [smem:$0x3FB3]  }
0x2f: {  	lr =	sadd.s32 s0, s3;
	s0 =	sld [smem:$0x3FAA]  }
0x30: {  	s3 =	sld [smem:$0x3FAD]  }
0x31: {  	[smem:$0x3FB6] =	sst s10  }
0x32: {  	s10 =	sld [smem:$0x3FB4];
	_ =	sdelay $0x3  }
0x33: {  	p0 =	seq.s32 s10, $0x1;
	s10 =	sld [smem:$0x3FB6];
	_ =	sdelay $0x3  }
0x34: {  	[smem:$0x3FB6] =	sst s10  }
0x35: {  	s10 =	sld [smem:$0x3FB5];
	_ =	sdelay $0x3  }
0x36: {  	p1 =	seq.s32 s10, $0x1;
	s10 =	sld [smem:$0x3FB6];
	_ =	sdelay $0x3  }
0x37: {  	[smem:$0x3FB6] =	sst s10  }
0x38: {  	s10 =	sld [smem:$0x3FB7]  }
0x39: {  	_ = 	snop;
	(pc) =	sbr.ind lr, $3  }
0x3a: {  	_ = 	snop  }
0x3b: {  	_ = 	snop  }
0x3c: {  	p2 =	seq.s32 s10, $0x1;
	s10 =	sld [smem:$0x3FB6]  }
0x3d: {  	_ =	shalt  }
0x3e: {  	_ =	shalt  }
0x3f: {  	_ =	shalt  }
0x40: {  	_ =	shalt  }
0x41: {  	_ =	shalt  }
0x42: {  	_ =	shalt  }
0x43: {  	_ =	shalt  }
0x44: {  	_ =	shalt  }
0x45: {  	_ =	shalt  }
0x46: {  	_ =	shalt  }
0x47: {  	_ =	shalt  }
0x48: {  	_ =	shalt  }
0x49: {  	_ =	shalt  }
0x4a: {  	_ =	shalt  }
0x4b: {  	_ =	shalt  }
0x4c: {  	_ =	shalt  }
0x4d: {  	_ =	shalt  }
0x4e: {  	_ =	shalt  }
0x4f: {  	_ =	shalt  }
0x50: {  	_ =	shalt  }
0x51: {  	_ =	shalt  }
0x52: {  	_ =	shalt  }
0x53: {  	_ =	shalt  }
0x54: {  	_ =	shalt  }
0x55: {  	_ =	shalt  }
0x56: {  	_ =	shalt  }
0x57: {  	_ =	shalt  }
0x58: {  	_ =	shalt  }
0x59: {  	_ =	shalt  }
0x5a: {  	_ =	shalt  }
0x5b: {  	_ =	shalt  }
0x5c: {  	_ =	shalt  }
0x5d: {  	_ =	shalt  }
0x5e: {  	_ =	shalt  }
0x5f: {  	_ =	shalt  }
0x60: {  	_ =	shalt  }
0x61: {  	_ =	shalt  }
0x62: {  	_ =	shalt  }
0x63: {  	_ =	shalt  }
0x64: {  	_ =	shalt  }
0x65: {  	_ =	shalt  }
0x66: {  	_ =	shalt  }
0x67: {  	_ =	shalt  }
0x68: {  	_ =	shalt  }
0x69: {  	_ =	shalt  }
0x6a: {  	_ =	shalt  }
0x6b: {  	_ =	shalt  }
0x6c: {  	_ =	shalt  }
0x6d: {  	_ =	shalt  }
0x6e: {  	_ =	shalt  }
0x6f: {  	_ =	shalt  }
0x70: {  	_ =	shalt  }
0x71: {  	_ =	shalt  }
0x72: {  	_ =	shalt  }
0x73: {  	_ =	shalt  }
0x74: {  	_ =	shalt  }
0x75: {  	_ =	shalt  }
0x76: {  	_ =	shalt  }
0x77: {  	_ =	shalt  }
0x78: {  	_ =	shalt  }
0x79: {  	_ =	shalt  }
0x7a: {  	_ =	shalt  }
0x7b: {  	_ =	shalt  }
0x7c: {  	_ =	shalt  }
0x7d: {  	_ =	shalt  }
0x7e: {  	_ =	shalt  }
0x7f: {  	_ =	shalt  }
0x80: {  	_ =	shalt  }
0x81: {  	_ =	shalt  }
0x82: {  	_ =	shalt  }
0x83: {  	_ =	shalt  }
0x84: {  	_ =	shalt  }
0x85: {  	_ =	shalt  }
0x86: {  	_ =	shalt  }
0x87: {  	_ =	shalt  }
.Lfunc_end0:
.L_simem_size_0:
called_computation_lowered:
.L_overlay_start_0:
0x88: {  	s2 =	sld [smem:$0x3FD9]  }
0x89: {  	s3 =	sld [smem:$0x3FFE];
	_ =	sdelay $0x1  }
0x8a: {  	s1 =	srdreg.scid  }
0x8b: {  	s0 =	sand.u32 $0x1, s1  }
0x8c: {  	s17 =	sshll.u32 s0, $0xA;
	s2 =	sadd.s32 s3, s2  }
0x8d: {  	s2 =	sadd.s32 s2, s17  }
0x8e: {  	[smem:$0x3FC2] =	sst s2  }
0x8f: {  	_ = 	snop  }
0x90: {  	s2 =	sld [smem:$0x3FD0];
	(tm) =	ssettm $0x1  }
0x91: {  	s18 =	sld [smem:$0x3FFB];
	_ =	sdelay $0x3  }
0x92: {  	_ =	strace s18  }
0x93: {  	s3 =	sld [smem:$0x3FFC];
	_ =	sdelay $0x3  }
0x94: {  	_ =	strace s3  }
0x95: {  	s3 =	sld [smem:$0x3FFD];
	_ =	sdelay $0x3  }
0x96: {  	_ =	strace s3  }
0x97: {  	_ =	strace $0x8FFFFFFF  }
0x98: {  	s19 =	sld [smem:$0x3FDB];
	_ =	sdelay $0x1  }
0x99: {  	s4 =	simm.s32 $_scs_section_size  }
0x9a: {  	s5 =	simm.s32 $_size__tile_overlayer_lowered;
	s6 =	simm.s32 $_tile_overlayer_lowered  }
0x9b: {  	s22 =	simm.s32 $0x1BFF;
	s21 =	sshll.u32 s6, $0x1;
	s3 =	sadd.s32 s4, s19  }
0x9c: {  	s7 =	simm.s32 $0x0;
	s20 =	sshll.u32 s5, $0x1;
	s5 =	sadd.s32 s21, s3  }
0x9d: {  	[timem:s7], [sflag:s22] =	dma.local [hbm:s5], s20  }
0x9e: {  	_ =	swait.ge [sflag:s22], s20  }
0x9f: {  	s4 =	ssub.s32 $0x0, s20;
	[sflag:s22] =	ssyncset.done $0x0  }
0xa0: {  	[sflag:s22] =	ssyncadd.s32 s4;
	_ =	sdelay $0x1  }
0xa1: {  	s23 =	simm.s32 $0x1B8B  }
0xa2: {  	_ =	swait.ge [sflag:s23], $0x1  }
0xa3: {  	[sflag:s23] =	ssyncset.done $0x0  }
0xa4: {  	s25 =	simm.s32 $0x1B8E;
	s24 =	sld [smem:$0x3FFE];
	[sflag:s23] =	ssyncadd.s32 $0xFFFFFFFF  }
0xa5: {  	s26 =	simm.s32 $execute0_lowered;
	[smem:$0x3FD2] =	sst s25  }
0xa6: {  	s5 =	sshll.u32 s26, $0x1;
	_ =	strace $0x80000046;
	[dreg:$0x1] =	wrdreg $0xFFFFFFFF  }
0xa7: {  	s28 =	simm.s32 $_size_execute0_lowered;
	s3 =	sadd.s32 s3, s5;
	[dreg:$0x0] =	wrdreg $0x0  }
0xa8: {  	s5 =	sshll.u32 s28, $0x1;
	[dreg:$0x2] =	wrdreg s3  }
0xa9: {  	[dreg:$0x3] =	wrdreg s5  }
0xaa: {  	[dreg:$0x4] =	wrdreg $0xC0  }
0xab: {  	_ =	task [dreg:s7], $0x5FFFF  }
0xac: {  	[dreg:$0x1] =	wrdreg $0xFFFFFFFF  }
0xad: {  	[dreg:$0x0] =	wrdreg $0x60  }
0xae: {  	[dreg:$0x2] =	wrdreg s24  }
0xaf: {  	[dreg:$0x3] =	wrdreg s2  }
0xb0: {  	[dreg:$0x4] =	wrdreg $0x9  }
0xb1: {  	_ =	task.clear_ibuf [dreg:s7], $0x5FFFF;
	_ =	strace $0x90000046  }
0xb2: {  	s29 =	simm.s32 $0x9;
	_ =	strace $0x80000048  }
0xb3: {  	_ =	swait.ge [sflag:s29], $0x1  }
0xb4: {  	[sflag:s29] =	ssyncadd.s32 $0xFFFFFFFF  }
0xb5: {  	_ =	strace $0x90000048  }
0xb6: {  	_ =	sfence  }
0xb7: {  	s30 =	sld [smem:$0x0];
	_ =	sdelay $0x2  }
0xb8: {  	s31 =	sshll.u32 s1, $0xD;
	s1 =	sshrl.u32 s1, $0x2  }
0xb9: {  	s3 =	sand.u32 $0x4000, s31;
	s1 =	sadd.s32 s1, s30  }
0xba: {  	s0 =	sor.u32 s3, s0;
	s1 =	sshll.u32 s1, $0x11  }
0xbb: {  	s0 =	sor.u32 s1, s0  }
0xbc: {  	s0 =	sadd.s32 $0x8F2B, s0  }
0xbd: {  	[sflag:s0] =	ssyncadd.remote.s32 $0x1  }
0xbe: {  	_ =	sfence.sel $0xFFFF  }
0xbf: {  	[dreg:$0x0] =	wrdreg $0xFFFFFFFF;
	(pc) =	sbr.abs _section_cstart, $3  }
0xc0: {  	[dreg:$0x1] =	wrdreg $0xFFFFFFFF  }
0xc1: {  	_ =	task.clear_ibuf [dreg:s7], $0x2FFFF;
	_ =	strace $0x9FFFFFFF  }
0xc2: {  	(tm) =	ssettm $0x7FFFFFFF  }
0xc3: {  	_ =	shalt  }
tec
execute0_lowered:
.L_overlay_start_1:
0x0: {  	(tag) =	ssettag $0x1  }
0x1: {  	s3 =	rddreg [dreg:$0x0];
	s0 =	srdreg.scid  }
0x2: {  	s4 =	rddreg [dreg:$0x1];
	s1 =	stileid.u32;
	s2 =	simm.s32 $0x0  }
0x3: {  	s10 =	simm.s32 $0x0;
	s5 =	sand.u32 $0x1, s0;
	s0 =	rddreg [dreg:$0x2]  }
0x4: {  	s7 =	sshrl.u32 s1, $0x3;
	[smem:$0x7FF] =	sst s2;
	s6 =	smul.u32 $0x27800, s5  }
0x5: {  	s9 =	sshll.u32 s1, $0x7;
	s8 =	sshll.u32 s5, $0x4;
	s7 =	smul.u32 $0x13C00, s7  }
0x6: {  	s30 =	sand.u32 $0x380, s9;
	_ =	strace $0x80000047;
	s5 =	ssub.s32 $0x2, s5  }
0x7: {  	s9 =	simm.s32 $0x400;
	s8 =	sor.u32 s1, s8;
	s31 =	sshrl.u32 s5, $0x1  }
0x8: {  	s8 =	smul.u32 $0x4E2, s8;
	s6 =	sadd.s32 s6, s7;
	s5 =	ssub.s32 s5, s31  }
0x9: {  	s7 =	simm.s32 $0x2780;
	s6 =	sor.u32 s30, s6;
	s5 =	smax.u32 s5, $0x1  }
0xa: {  	s3 =	sadd.s32 s8, s3;
	s6 =	sshrl.u32 s6, $0x3;
	s8 =	simm.s32 $0x80  }
0xb: {  	v0 =	vimm.f32 $0.0e+00;
	v1 =	vimm.f32 $1.000000000e+00;
	s3 =	sadd.s32 $0x2400, s3;
	s4 =	sadd.s32 s4, s6;
	s6 =	simm.s32 $0x1  }
.LBB2_1:
0xc: {  	[tilespmem:s2], [sflag:$0x1] =	stream.linear.gather [hbm4b:s3+s2], $0x2710, $0x38;
	[tilespmem:$0x4F00] =	vst v63  }
0xd: {  	_ =	swait.ge [sflag:s6], $0x2710  }
0xe: {  	[sflag:s6] =	ssyncset.done $0x0  }
0xf: {  	s11 =	simm.s32 $0x0;
	[sflag:s6] =	ssyncadd.s32 $0xFFFFD8F0  }
.LBB2_2:
0x10: {  	p0 =	sne.s32 s11, $0x9DC0  }
.Ltmp0:
0x11: {  	_ = 	snop;
	(pc) =	sbr.rel @p0 .LBB2_2-.Ltmp0, $3  }
0x12: {  	_ =	sdelay $0x1  }
0x13: {  	s12 =	sshra.s32 s11, $0x2  }
0x14: {  	s11 =	sadd.s32 $0x40, s11;
	[tilespmem:s12+$0x2780] =	vst v0  }
0x15: {  	s12 =	simm.s32 $0x0;
	s11 =	simm.s32 $0x40  }
.LBB2_4:
0x16: {  	p0 =	sne.s32 s11, $0x9C00;
	v2 =	vld [tilespmem:s12+$0x0];
	_ =	sdelay $0x3  }
.Ltmp1:
0x17: {  	(pc) =	sbr.rel @p0 .LBB2_4-.Ltmp1, $2  }
0x18: {  	_ =	sdelay $0x2  }
0x19: {  	s12 =	sshra.s32 s11, $0x2;
	s11 =	sadd.s32 $0x40, s11;
	[tilespmem:v2+s7+$0x0] =	vst.idx.add.f32.msk $0xffff, v1  }
0x1a: {  	v2 =	vld [tilespmem:s12+$0x0];
	_ =	sdelay $0x5  }
0x1b: {  	s10 =	sadd.s32 $0x1, s10  }
0x1c: {  	p0 =	sne.s32 s10, s5  }
.Ltmp2:
0x1d: {  	[tilespmem:v2+s7+$0x0] =	vst.idx.add.f32.msk $0xffff, v1;
	(pc) =	sbr.rel @p0 .LBB2_1-.Ltmp2, $4  }
0x1e: {  	[hbm4b:s4+s8] =	stream.strided.scatter [tilespmem:s7], [sflag:$0x1], $0x2780, s9, s8, $0x38;
	[tilespmem:$0x4F00] =	vst v63  }
0x1f: {  	_ =	swait.ge [sflag:s6], $0x2780  }
0x20: {  	[sflag:s6] =	ssyncset.done $0x0  }
0x21: {  	[sflag:s6] =	ssyncadd.s32 $0xFFFFD880  }
0x22: {  	_ =	sfence.sel $0x180000  }
0x23: {  	[bflag:$0x0] =	sbarrier.arrive $0xFFFF  }
0x24: {  	p0 =	sne.s32 s1, $0x0;
	_ =	strace $0x90000047  }
0x25: {  	s0 =	sadd.s32 @!p0 $0x100000, s0;
	[bflag:$0x2] =	sbarrier.arrive $0xFFFF  }
0x26: {  	[sflag:s0] =	ssyncadd.tile.s32 @!p0 $0x1;
	_ =	shalt  }
.Lfunc_end2:
_tile_overlayer_lowered:
.L_overlay_start_2:
0x27: {  	(tag) =	ssettag $0x2  }
0x28: {  	s0 =	rddreg [dreg:$0x0];
	s2 =	stileid.u32  }
0x29: {  	s1 =	rddreg [dreg:$0x1];
	p0 =	sne.s32 s2, $0x0  }
0x2a: {  	s3 =	rddreg [dreg:$0x2];
	[bflag:$0x3] =	sbarrier.arrive $0xFFFF;
	s2 =	simm.s32 @!p0 $0x1C01  }
0x2b: {  	[timem:s3], [sflag:s2] =	dma.local @!p0 [hbm:s0], s1  }
0x2c: {  	s0 =	simm.s32 @!p0 $0x1  }
0x2d: {  	_ =	swait.ge @!p0 [sflag:s0], s1  }
0x2e: {  	s1 =	ssub.s32 @!p0 $0x0, s1;
	[sflag:s0] =	ssyncset.done @!p0 $0x0  }
0x2f: {  	[sflag:s0] =	ssyncadd.s32 @!p0 s1  }
0x30: {  	[bflag:$0x3] =	sbarrier.arrive $0xFFFF  }
0x31: {  	_ =	shalt  }

</sc_bundles>
